<compile_context>
chip_gen: v7x
topology: tpu7x:2x2x1
jax: 0.10.2.dev20260603
libtpu: 0.0.44.dev20260713+nightly
codegen_flags: <defaults>
</compile_context>

<pallas_src>
import functools

import jax
import jax.numpy as jnp
from jax import lax
from jax.experimental import pallas as pl
from jax.experimental.pallas import tpu as pltpu
from jax.experimental.pallas import tpu_sc as plsc

B, N, D = 16, 2048, 1024
NC, NS = 2, 16
NW = NC * NS
DW = D // 2
CH = 64
LANES = 16
JV = DW // LANES

NT = 1216
SC_N = N - NT
NCHUNK = SC_N // CH


def _sc_body(x_hbm, out_hbm, buf, acc, sem0, sem1):
    wid = lax.axis_index("c") * NS + lax.axis_index("s")
    b = wid // 2
    c0 = (wid % 2) * DW

    sems = (sem0, sem1)

    def start(i, slot):
        pltpu.async_copy(
            x_hbm.at[b, pl.ds(NT + i * CH, CH), pl.ds(c0, DW)],
            buf.at[slot], sems[slot])

    def wait(slot):
        pltpu.make_async_copy(
            x_hbm.at[b, pl.ds(0, CH), pl.ds(c0, DW)],
            buf.at[slot], sems[slot]).wait()

    def accumulate(slot, carry):
        def row_body(r, carry):
            vals = [buf[slot, r, pl.ds(j * LANES, LANES)] for j in range(JV)]
            return tuple(c + v for c, v in zip(carry, vals))

        return lax.fori_loop(0, CH, row_body, carry)

    start(0, 0)
    zeros = tuple(jnp.zeros((LANES,), jnp.float32) for _ in range(JV))

    @pl.loop(0, NCHUNK - (NCHUNK % 2), step=2, init_carry=zeros)
    def _chunk(g, carry):
        start(g + 1, 1)
        wait(0)
        carry = accumulate(0, carry)

        @pl.when(g + 2 < NCHUNK)
        def _():
            start(g + 2, 0)

        wait(1)
        return accumulate(1, carry)

    final = _chunk
    if NCHUNK % 2:
        wait(0)
        final = accumulate(0, final)

    for j in range(JV):
        acc[pl.ds(j * LANES, LANES)] = final[j]

    pltpu.sync_copy(acc, out_hbm.at[b, pl.ds(c0, DW)])


_mesh = plsc.VectorSubcoreMesh(core_axis_name="c", subcore_axis_name="s")

_sum_sc = functools.partial(
    pl.kernel,
    out_type=jax.ShapeDtypeStruct((B, D), jnp.float32),
    mesh=_mesh,
    scratch_types=[
        pltpu.VMEM((2, CH, DW), jnp.float32),
        pltpu.VMEM((DW,), jnp.float32),
        pltpu.SemaphoreType.DMA,
        pltpu.SemaphoreType.DMA,
    ],
)(_sc_body)


RB = 16
CHK = 64


def _tc_body(x_hbm, out_ref, buf, sem):
    nsteps = B * (NT // CHK)
    kpb = NT // CHK

    out_ref[...] = jnp.zeros((B, D), jnp.float32)

    def start_dma(c, slot):
        b = c // kpb
        k = c % kpb
        pltpu.async_copy(
            x_hbm.at[b, pl.ds(k * CHK, CHK), :], buf.at[slot], sem.at[slot])

    for c in range(RB):
        start_dma(c, c)

    def body(c, _):
        slot = lax.rem(c, RB)
        pltpu.make_async_copy(
            x_hbm.at[0, pl.ds(0, CHK), :], buf.at[slot], sem.at[slot]).wait()
        b = c // kpb
        out_ref[pl.ds(b, 1), :] += jnp.sum(buf[slot], axis=0, keepdims=True)

        nc = c + RB

        @pl.when(nc < nsteps)
        def _():
            nb = nc // kpb
            nk = lax.rem(nc, kpb)
            pltpu.async_copy(
                x_hbm.at[nb, pl.ds(nk * CHK, CHK), :],
                buf.at[slot], sem.at[slot])

        return 0

    lax.fori_loop(0, nsteps, body, 0)


_sum_tc = pl.pallas_call(
    _tc_body,
    in_specs=[pl.BlockSpec(memory_space=pltpu.MemorySpace.HBM)],
    out_specs=pl.BlockSpec(memory_space=pltpu.MemorySpace.VMEM),
    out_shape=jax.ShapeDtypeStruct((B, D), jnp.float32),
    scratch_shapes=[
        pltpu.VMEM((RB, CHK, D), jnp.float32),
        pltpu.SemaphoreType.DMA((RB,)),
    ],
)


@jax.jit
def kernel(inputs):
    sc_part = _sum_sc(inputs)
    tc_part = _sum_tc(inputs)
    return sc_part + tc_part

# --- scband reference (transcript-rebuilt; emitter-appended) ---
"""Pipeline reference for scband-permop-ragged-34832184771174 (READ-ONLY COPY).

The authoritative reference and input builder live on the scoring server;
editing this copy changes nothing except your own understanding.
"""

import jax, jax.numpy as jnp
import numpy as np


def setup_inputs(seed: int = 0) -> dict:
    key = jax.random.key(seed)
    inputs = jax.random.normal(key, (16, 2048, 1024), dtype=jnp.float32)
    return {"inputs": inputs}


def reference(inputs):
    # Original torch: torch.stack([torch.sum(x, dim=0) for x in inputs])
    # Iterating over a 3D tensor yields slices along axis 0; summing each slice
    # over its dim 0 and stacking is equivalent to summing over axis 1.
    return jnp.sum(inputs, axis=1)

if __name__ == "__main__":
    import jax
    _d = setup_inputs()
    print(jax.jit(kernel)(*tuple(_d.values())))

</pallas_src>

<mosaic_0001>
#map = affine_map<(d0, d1) -> (0, 0, 0)>
#map1 = affine_map<(d0, d1) -> (0, 0)>
module attributes {stable_mosaic.version = 14 : i64} {
  func.func @_sc_body(%arg0: i32, %arg1: i32, %arg2: memref<16x2048x1024xf32, #tpu.memory_space<hbm>>, %arg3: memref<16x1024xf32, #tpu.memory_space<hbm>>, %arg4: memref<2x64x512xf32, #tpu.memory_space<vmem>>, %arg5: memref<512xf32, #tpu.memory_space<vmem>>, %arg6: memref<!tpu.dma_semaphore, #tpu.memory_space<semaphore_mem>>, %arg7: memref<!tpu.dma_semaphore, #tpu.memory_space<semaphore_mem>>) attributes {dimension_semantics = [#tpu.dimension_semantics<core_parallel>, #tpu.dimension_semantics<subcore_parallel>], iteration_bounds = array<i64: 2, 16>, scalar_prefetch = 0 : i64, scratch_operands = 4 : i64, tpu.core_type = #tpu.core_type<sc_vector_subcore>, window_params = [{transform_indices = #map}, {transform_indices = #map1}]} {
    %mul3A = arith.constant 16 : i32
    %mul3A_0 = arith.muli %arg0, %mul3A : i32
    %add3A = arith.addi %mul3A_0, %arg1 : i32
    %jit3A = arith.constant 2 : i32
    %div3A = arith.divsi %add3A, %jit3A : i32
    %sign3A = arith.constant 0 : i32
    %sign3A_1 = arith.cmpi sgt, %add3A, %sign3A : i32
    %sign3A_2 = arith.extui %sign3A_1 : i1 to i32
    %sign3A_3 = arith.constant 0 : i32
    %sign3A_4 = arith.cmpi slt, %add3A, %sign3A_3 : i32
    %sign3A_5 = arith.extui %sign3A_4 : i1 to i32
    %sign3A_6 = arith.subi %sign3A_2, %sign3A_5 : i32
    %sign3A_7 = arith.constant 0 : i32
    %sign3A_8 = arith.cmpi sgt, %jit3A, %sign3A_7 : i32
    %sign3A_9 = arith.extui %sign3A_8 : i1 to i32
    %sign3A_10 = arith.constant 0 : i32
    %sign3A_11 = arith.cmpi slt, %jit3A, %sign3A_10 : i32
    %sign3A_12 = arith.extui %sign3A_11 : i1 to i32
    %sign3A_13 = arith.subi %sign3A_9, %sign3A_12 : i32
    %ne3A = arith.cmpi ne, %sign3A_6, %sign3A_13 : i32
    %rem3A = arith.remsi %add3A, %jit3A : i32
    %ne3A_14 = arith.constant 0 : i32
    %ne3A_15 = arith.cmpi ne, %rem3A, %ne3A_14 : i32
    %and3A = arith.andi %ne3A, %ne3A_15 : i1
    %sub3A = arith.constant 1 : i32
    %sub3A_16 = arith.subi %div3A, %sub3A : i32
    %select_n3A = arith.select %and3A, %sub3A_16, %div3A : i32
    %jit3A_17 = arith.constant 2 : i32
    %eq3A = arith.constant 0 : i32
    %eq3A_18 = arith.cmpi eq, %jit3A_17, %eq3A : i32
    %jit3A_19 = arith.constant 1 : i32
    %select_n3A_20 = arith.select %eq3A_18, %jit3A_19, %jit3A_17 : i32
    %rem3A_21 = arith.remsi %add3A, %select_n3A_20 : i32
    %ne3A_22 = arith.constant 0 : i32
    %ne3A_23 = arith.cmpi ne, %rem3A_21, %ne3A_22 : i32
    %lt3A = arith.constant 0 : i32
    %lt3A_24 = arith.cmpi slt, %rem3A_21, %lt3A : i32
    %lt3A_25 = arith.constant 0 : i32
    %lt3A_26 = arith.cmpi slt, %select_n3A_20, %lt3A_25 : i32
    %ne3A_27 = arith.xori %lt3A_24, %lt3A_26 : i1
    %and3A_28 = arith.andi %ne3A_27, %ne3A_23 : i1
    %add3A_29 = arith.addi %rem3A_21, %select_n3A_20 : i32
    %select_n3A_30 = arith.select %and3A_28, %add3A_29, %rem3A_21 : i32
    %mul3A_31 = arith.constant 512 : i32
    %mul3A_32 = arith.muli %select_n3A_30, %mul3A_31 : i32
    %dma_start3A = arith.constant 0 : i32
    %dma_start3A_33 = arith.constant 0 : i32
    %dma_start3A_34 = arith.constant 0 : i32
    %dma_start3A_35 = tpu.memref_slice %arg4[%dma_start3A, %dma_start3A_33, %dma_start3A_34] : memref<2x64x512xf32, #tpu.memory_space<vmem>> -> memref<1x64x512xf32, #tpu.memory_space<vmem>>
    %dma_start3A_36 = tpu.memref_squeeze %dma_start3A_35 : memref<1x64x512xf32, #tpu.memory_space<vmem>> -> memref<64x512xf32, #tpu.memory_space<vmem>>
    %dma_start3A_37 = arith.constant 1216 : i32
    %dma_start3A_38 = tpu.memref_slice %arg2[%select_n3A, %dma_start3A_37, %mul3A_32] : memref<16x2048x1024xf32, #tpu.memory_space<hbm>> -> memref<1x64x512xf32, #tpu.memory_space<hbm>>
    %dma_start3A_39 = tpu.memref_squeeze %dma_start3A_38 : memref<1x64x512xf32, #tpu.memory_space<hbm>> -> memref<64x512xf32, #tpu.memory_space<hbm>>
    %dma_start3A_40 = arith.constant 0 : i32
    %dma_start3A_41 = arith.constant 0 : i32
    %dma_start3A_42 = tpu.memref_slice %arg4[%dma_start3A, %dma_start3A_40, %dma_start3A_41] : memref<2x64x512xf32, #tpu.memory_space<vmem>> -> memref<1x64x512xf32, #tpu.memory_space<vmem>>
    %dma_start3A_43 = tpu.memref_squeeze %dma_start3A_42 : memref<1x64x512xf32, #tpu.memory_space<vmem>> -> memref<64x512xf32, #tpu.memory_space<vmem>>
    %dma_start3A_44 = arith.constant 1216 : i32
    %dma_start3A_45 = tpu.memref_slice %arg2[%select_n3A, %dma_start3A_44, %mul3A_32] : memref<16x2048x1024xf32, #tpu.memory_space<hbm>> -> memref<1x64x512xf32, #tpu.memory_space<hbm>>
    %dma_start3A_46 = tpu.memref_squeeze %dma_start3A_45 : memref<1x64x512xf32, #tpu.memory_space<hbm>> -> memref<64x512xf32, #tpu.memory_space<hbm>>
    tpu.enqueue_dma source(%dma_start3A_46 : memref<64x512xf32, #tpu.memory_space<hbm>>) target(%dma_start3A_43 : memref<64x512xf32, #tpu.memory_space<vmem>>) target_semaphore(%arg6 : memref<!tpu.dma_semaphore, #tpu.memory_space<semaphore_mem>>)
    %broadcast_in_dim3A = arith.constant 0.000000e+00 : f32
    %broadcast_in_dim3A_47 = vector.broadcast %broadcast_in_dim3A : f32 to vector<16xf32>
    %broadcast_in_dim3A_48 = arith.constant 0.000000e+00 : f32
    %broadcast_in_dim3A_49 = vector.broadcast %broadcast_in_dim3A_48 : f32 to vector<16xf32>
    %broadcast_in_dim3A_50 = arith.constant 0.000000e+00 : f32
    %broadcast_in_dim3A_51 = vector.broadcast %broadcast_in_dim3A_50 : f32 to vector<16xf32>
    %broadcast_in_dim3A_52 = arith.constant 0.000000e+00 : f32
    %broadcast_in_dim3A_53 = vector.broadcast %broadcast_in_dim3A_52 : f32 to vector<16xf32>
    %broadcast_in_dim3A_54 = arith.constant 0.000000e+00 : f32
    %broadcast_in_dim3A_55 = vector.broadcast %broadcast_in_dim3A_54 : f32 to vector<16xf32>
    %broadcast_in_dim3A_56 = arith.constant 0.000000e+00 : f32
    %broadcast_in_dim3A_57 = vector.broadcast %broadcast_in_dim3A_56 : f32 to vector<16xf32>
    %broadcast_in_dim3A_58 = arith.constant 0.000000e+00 : f32
    %broadcast_in_dim3A_59 = vector.broadcast %broadcast_in_dim3A_58 : f32 to vector<16xf32>
    %broadcast_in_dim3A_60 = arith.constant 0.000000e+00 : f32
    %broadcast_in_dim3A_61 = vector.broadcast %broadcast_in_dim3A_60 : f32 to vector<16xf32>
    %broadcast_in_dim3A_62 = arith.constant 0.000000e+00 : f32
    %broadcast_in_dim3A_63 = vector.broadcast %broadcast_in_dim3A_62 : f32 to vector<16xf32>
    %broadcast_in_dim3A_64 = arith.constant 0.000000e+00 : f32
    %broadcast_in_dim3A_65 = vector.broadcast %broadcast_in_dim3A_64 : f32 to vector<16xf32>
    %broadcast_in_dim3A_66 = arith.constant 0.000000e+00 : f32
    %broadcast_in_dim3A_67 = vector.broadcast %broadcast_in_dim3A_66 : f32 to vector<16xf32>
    %broadcast_in_dim3A_68 = arith.constant 0.000000e+00 : f32
    %broadcast_in_dim3A_69 = vector.broadcast %broadcast_in_dim3A_68 : f32 to vector<16xf32>
    %broadcast_in_dim3A_70 = arith.constant 0.000000e+00 : f32
    %broadcast_in_dim3A_71 = vector.broadcast %broadcast_in_dim3A_70 : f32 to vector<16xf32>
    %broadcast_in_dim3A_72 = arith.constant 0.000000e+00 : f32
    %broadcast_in_dim3A_73 = vector.broadcast %broadcast_in_dim3A_72 : f32 to vector<16xf32>
    %broadcast_in_dim3A_74 = arith.constant 0.000000e+00 : f32
    %broadcast_in_dim3A_75 = vector.broadcast %broadcast_in_dim3A_74 : f32 to vector<16xf32>
    %broadcast_in_dim3A_76 = arith.constant 0.000000e+00 : f32
    %broadcast_in_dim3A_77 = vector.broadcast %broadcast_in_dim3A_76 : f32 to vector<16xf32>
    %broadcast_in_dim3A_78 = arith.constant 0.000000e+00 : f32
    %broadcast_in_dim3A_79 = vector.broadcast %broadcast_in_dim3A_78 : f32 to vector<16xf32>
    %broadcast_in_dim3A_80 = arith.constant 0.000000e+00 : f32
    %broadcast_in_dim3A_81 = vector.broadcast %broadcast_in_dim3A_80 : f32 to vector<16xf32>
    %broadcast_in_dim3A_82 = arith.constant 0.000000e+00 : f32
    %broadcast_in_dim3A_83 = vector.broadcast %broadcast_in_dim3A_82 : f32 to vector<16xf32>
    %broadcast_in_dim3A_84 = arith.constant 0.000000e+00 : f32
    %broadcast_in_dim3A_85 = vector.broadcast %broadcast_in_dim3A_84 : f32 to vector<16xf32>
    %broadcast_in_dim3A_86 = arith.constant 0.000000e+00 : f32
    %broadcast_in_dim3A_87 = vector.broadcast %broadcast_in_dim3A_86 : f32 to vector<16xf32>
    %broadcast_in_dim3A_88 = arith.constant 0.000000e+00 : f32
    %broadcast_in_dim3A_89 = vector.broadcast %broadcast_in_dim3A_88 : f32 to vector<16xf32>
    %broadcast_in_dim3A_90 = arith.constant 0.000000e+00 : f32
    %broadcast_in_dim3A_91 = vector.broadcast %broadcast_in_dim3A_90 : f32 to vector<16xf32>
    %broadcast_in_dim3A_92 = arith.constant 0.000000e+00 : f32
    %broadcast_in_dim3A_93 = vector.broadcast %broadcast_in_dim3A_92 : f32 to vector<16xf32>
    %broadcast_in_dim3A_94 = arith.constant 0.000000e+00 : f32
    %broadcast_in_dim3A_95 = vector.broadcast %broadcast_in_dim3A_94 : f32 to vector<16xf32>
    %broadcast_in_dim3A_96 = arith.constant 0.000000e+00 : f32
    %broadcast_in_dim3A_97 = vector.broadcast %broadcast_in_dim3A_96 : f32 to vector<16xf32>
    %broadcast_in_dim3A_98 = arith.constant 0.000000e+00 : f32
    %broadcast_in_dim3A_99 = vector.broadcast %broadcast_in_dim3A_98 : f32 to vector<16xf32>
    %broadcast_in_dim3A_100 = arith.constant 0.000000e+00 : f32
    %broadcast_in_dim3A_101 = vector.broadcast %broadcast_in_dim3A_100 : f32 to vector<16xf32>
    %broadcast_in_dim3A_102 = arith.constant 0.000000e+00 : f32
    %broadcast_in_dim3A_103 = vector.broadcast %broadcast_in_dim3A_102 : f32 to vector<16xf32>
    %broadcast_in_dim3A_104 = arith.constant 0.000000e+00 : f32
    %broadcast_in_dim3A_105 = vector.broadcast %broadcast_in_dim3A_104 : f32 to vector<16xf32>
    %broadcast_in_dim3A_106 = arith.constant 0.000000e+00 : f32
    %broadcast_in_dim3A_107 = vector.broadcast %broadcast_in_dim3A_106 : f32 to vector<16xf32>
    %broadcast_in_dim3A_108 = arith.constant 0.000000e+00 : f32
    %broadcast_in_dim3A_109 = vector.broadcast %broadcast_in_dim3A_108 : f32 to vector<16xf32>
    %scan3A = arith.constant 0 : i32
    %scan3A_110 = arith.constant 6 : i32
    %scan3A_111 = arith.addi %scan3A, %scan3A_110 : i32
    %scan3A_112 = arith.constant 1 : i32
    %scan3A_113:32 = scf.for %scan3A_262 = %scan3A to %scan3A_111 step %scan3A_112 iter_args(%scan3A_263 = %broadcast_in_dim3A_47, %scan3A_264 = %broadcast_in_dim3A_49, %scan3A_265 = %broadcast_in_dim3A_51, %scan3A_266 = %broadcast_in_dim3A_53, %scan3A_267 = %broadcast_in_dim3A_55, %scan3A_268 = %broadcast_in_dim3A_57, %scan3A_269 = %broadcast_in_dim3A_59, %scan3A_270 = %broadcast_in_dim3A_61, %scan3A_271 = %broadcast_in_dim3A_63, %scan3A_272 = %broadcast_in_dim3A_65, %scan3A_273 = %broadcast_in_dim3A_67, %scan3A_274 = %broadcast_in_dim3A_69, %scan3A_275 = %broadcast_in_dim3A_71, %scan3A_276 = %broadcast_in_dim3A_73, %scan3A_277 = %broadcast_in_dim3A_75, %scan3A_278 = %broadcast_in_dim3A_77, %scan3A_279 = %broadcast_in_dim3A_79, %scan3A_280 = %broadcast_in_dim3A_81, %scan3A_281 = %broadcast_in_dim3A_83, %scan3A_282 = %broadcast_in_dim3A_85, %scan3A_283 = %broadcast_in_dim3A_87, %scan3A_284 = %broadcast_in_dim3A_89, %scan3A_285 = %broadcast_in_dim3A_91, %scan3A_286 = %broadcast_in_dim3A_93, %scan3A_287 = %broadcast_in_dim3A_95, %scan3A_288 = %broadcast_in_dim3A_97, %scan3A_289 = %broadcast_in_dim3A_99, %scan3A_290 = %broadcast_in_dim3A_101, %scan3A_291 = %broadcast_in_dim3A_103, %scan3A_292 = %broadcast_in_dim3A_105, %scan3A_293 = %broadcast_in_dim3A_107, %scan3A_294 = %broadcast_in_dim3A_109) -> (vector<16xf32>, vector<16xf32>, vector<16xf32>, vector<16xf32>, vector<16xf32>, vector<16xf32>, vector<16xf32>, vector<16xf32>, vector<16xf32>, vector<16xf32>, vector<16xf32>, vector<16xf32>, vector<16xf32>, vector<16xf32>, vector<16xf32>, vector<16xf32>, vector<16xf32>, vector<16xf32>, vector<16xf32>, vector<16xf32>, vector<16xf32>, vector<16xf32>, vector<16xf32>, vector<16xf32>, vector<16xf32>, vector<16xf32>, vector<16xf32>, vector<16xf32>, vector<16xf32>, vector<16xf32>, vector<16xf32>, vector<16xf32>)  : i32 {
      %mul3A_295 = arith.constant 2 : i32
      %mul3A_296 = arith.muli %scan3A_262, %mul3A_295 : i32
      %add3A_297 = arith.constant 0 : i32
      %add3A_298 = arith.addi %add3A_297, %mul3A_296 : i32
      %add3A_299 = arith.constant 1 : i32
      %add3A_300 = arith.addi %add3A_298, %add3A_299 : i32
      %mul3A_301 = arith.constant 64 : i32
      %mul3A_302 = arith.muli %add3A_300, %mul3A_301 : i32
      %add3A_303 = arith.constant 1216 : i32
      %add3A_304 = arith.addi %add3A_303, %mul3A_302 : i32
      %dma_start3A_305 = arith.constant 1 : i32
      %dma_start3A_306 = arith.constant 0 : i32
      %dma_start3A_307 = arith.constant 0 : i32
      %dma_start3A_308 = tpu.memref_slice %arg4[%dma_start3A_305, %dma_start3A_306, %dma_start3A_307] : memref<2x64x512xf32, #tpu.memory_space<vmem>> -> memref<1x64x512xf32, #tpu.memory_space<vmem>>
      %dma_start3A_309 = tpu.memref_squeeze %dma_start3A_308 : memref<1x64x512xf32, #tpu.memory_space<vmem>> -> memref<64x512xf32, #tpu.memory_space<vmem>>
      %dma_start3A_310 = tpu.memref_slice %arg2[%select_n3A, %add3A_304, %mul3A_32] : memref<16x2048x1024xf32, #tpu.memory_space<hbm>> -> memref<1x64x512xf32, #tpu.memory_space<hbm>>
      %dma_start3A_311 = tpu.memref_squeeze %dma_start3A_310 : memref<1x64x512xf32, #tpu.memory_space<hbm>> -> memref<64x512xf32, #tpu.memory_space<hbm>>
      %dma_start3A_312 = arith.constant 0 : i32
      %dma_start3A_313 = arith.constant 0 : i32
      %dma_start3A_314 = tpu.memref_slice %arg4[%dma_start3A_305, %dma_start3A_312, %dma_start3A_313] : memref<2x64x512xf32, #tpu.memory_space<vmem>> -> memref<1x64x512xf32, #tpu.memory_space<vmem>>
      %dma_start3A_315 = tpu.memref_squeeze %dma_start3A_314 : memref<1x64x512xf32, #tpu.memory_space<vmem>> -> memref<64x512xf32, #tpu.memory_space<vmem>>
      %dma_start3A_316 = tpu.memref_slice %arg2[%select_n3A, %add3A_304, %mul3A_32] : memref<16x2048x1024xf32, #tpu.memory_space<hbm>> -> memref<1x64x512xf32, #tpu.memory_space<hbm>>
      %dma_start3A_317 = tpu.memref_squeeze %dma_start3A_316 : memref<1x64x512xf32, #tpu.memory_space<hbm>> -> memref<64x512xf32, #tpu.memory_space<hbm>>
      tpu.enqueue_dma source(%dma_start3A_317 : memref<64x512xf32, #tpu.memory_space<hbm>>) target(%dma_start3A_315 : memref<64x512xf32, #tpu.memory_space<vmem>>) target_semaphore(%arg7 : memref<!tpu.dma_semaphore, #tpu.memory_space<semaphore_mem>>)
      %dma_wait3A_318 = arith.constant 0 : i32
      %dma_wait3A_319 = arith.constant 0 : i32
      %dma_wait3A_320 = arith.constant 0 : i32
      %dma_wait3A_321 = tpu.memref_slice %arg4[%dma_wait3A_318, %dma_wait3A_319, %dma_wait3A_320] : memref<2x64x512xf32, #tpu.memory_space<vmem>> -> memref<1x64x512xf32, #tpu.memory_space<vmem>>
      %dma_wait3A_322 = tpu.memref_squeeze %dma_wait3A_321 : memref<1x64x512xf32, #tpu.memory_space<vmem>> -> memref<64x512xf32, #tpu.memory_space<vmem>>
      %dma_wait3A_323 = arith.constant 0 : i32
      %dma_wait3A_324 = tpu.memref_slice %arg2[%select_n3A, %dma_wait3A_323, %mul3A_32] : memref<16x2048x1024xf32, #tpu.memory_space<hbm>> -> memref<1x64x512xf32, #tpu.memory_space<hbm>>
      %dma_wait3A_325 = tpu.memref_squeeze %dma_wait3A_324 : memref<1x64x512xf32, #tpu.memory_space<hbm>> -> memref<64x512xf32, #tpu.memory_space<hbm>>
      %dma_wait3A_326 = arith.constant 0 : i32
      %dma_wait3A_327 = arith.constant 0 : i32
      %dma_wait3A_328 = tpu.memref_slice %arg4[%dma_wait3A_318, %dma_wait3A_326, %dma_wait3A_327] : memref<2x64x512xf32, #tpu.memory_space<vmem>> -> memref<1x64x512xf32, #tpu.memory_space<vmem>>
      %dma_wait3A_329 = tpu.memref_squeeze %dma_wait3A_328 : memref<1x64x512xf32, #tpu.memory_space<vmem>> -> memref<64x512xf32, #tpu.memory_space<vmem>>
      %dma_wait3A_330 = arith.constant 0 : i32
      %dma_wait3A_331 = tpu.memref_slice %arg2[%select_n3A, %dma_wait3A_330, %mul3A_32] : memref<16x2048x1024xf32, #tpu.memory_space<hbm>> -> memref<1x64x512xf32, #tpu.memory_space<hbm>>
      %dma_wait3A_332 = tpu.memref_squeeze %dma_wait3A_331 : memref<1x64x512xf32, #tpu.memory_space<hbm>> -> memref<64x512xf32, #tpu.memory_space<hbm>>
      tpu.wait_dma2 semaphore(%arg6 : memref<!tpu.dma_semaphore, #tpu.memory_space<semaphore_mem>>) src(%dma_wait3A_332 : memref<64x512xf32, #tpu.memory_space<hbm>>) dst(%dma_wait3A_329 : memref<64x512xf32, #tpu.memory_space<vmem>>)
      %scan3A_333 = arith.constant 0 : i32
      %scan3A_334 = arith.constant 64 : i32
      %scan3A_335 = arith.addi %scan3A_333, %scan3A_334 : i32
      %scan3A_336 = arith.constant 1 : i32
      %scan3A_337:32 = scf.for %scan3A_365 = %scan3A_333 to %scan3A_335 step %scan3A_336 iter_args(%scan3A_366 = %scan3A_263, %scan3A_367 = %scan3A_264, %scan3A_368 = %scan3A_265, %scan3A_369 = %scan3A_266, %scan3A_370 = %scan3A_267, %scan3A_371 = %scan3A_268, %scan3A_372 = %scan3A_269, %scan3A_373 = %scan3A_270, %scan3A_374 = %scan3A_271, %scan3A_375 = %scan3A_272, %scan3A_376 = %scan3A_273, %scan3A_377 = %scan3A_274, %scan3A_378 = %scan3A_275, %scan3A_379 = %scan3A_276, %scan3A_380 = %scan3A_277, %scan3A_381 = %scan3A_278, %scan3A_382 = %scan3A_279, %scan3A_383 = %scan3A_280, %scan3A_384 = %scan3A_281, %scan3A_385 = %scan3A_282, %scan3A_386 = %scan3A_283, %scan3A_387 = %scan3A_284, %scan3A_388 = %scan3A_285, %scan3A_389 = %scan3A_286, %scan3A_390 = %scan3A_287, %scan3A_391 = %scan3A_288, %scan3A_392 = %scan3A_289, %scan3A_393 = %scan3A_290, %scan3A_394 = %scan3A_291, %scan3A_395 = %scan3A_292, %scan3A_396 = %scan3A_293, %scan3A_397 = %scan3A_294) -> (vector<16xf32>, vector<16xf32>, vector<16xf32>, vector<16xf32>, vector<16xf32>, vector<16xf32>, vector<16xf32>, vector<16xf32>, vector<16xf32>, vector<16xf32>, vector<16xf32>, vector<16xf32>, vector<16xf32>, vector<16xf32>, vector<16xf32>, vector<16xf32>, vector<16xf32>, vector<16xf32>, vector<16xf32>, vector<16xf32>, vector<16xf32>, vector<16xf32>, vector<16xf32>, vector<16xf32>, vector<16xf32>, vector<16xf32>, vector<16xf32>, vector<16xf32>, vector<16xf32>, vector<16xf32>, vector<16xf32>, vector<16xf32>)  : i32 {
        %get3A = arith.constant 0 : i32
        %get3A_398 = arith.index_cast %get3A : i32 to index
        %get3A_399 = arith.index_cast %scan3A_365 : i32 to index
        %get3A_400 = arith.constant 0 : index
        %get3A_401 = tpu.vector_load %arg4[%get3A_398, %get3A_399, %get3A_400] {strides = array<i32>} : memref<2x64x512xf32, #tpu.memory_space<vmem>>, vector<1x1x16xf32>,
        %get3A_402 = vector.shape_cast %get3A_401 : vector<1x1x16xf32> to vector<16xf32>
        %get3A_403 = arith.constant 0 : i32
        %get3A_404 = arith.index_cast %get3A_403 : i32 to index
        %get3A_405 = arith.index_cast %scan3A_365 : i32 to index
        %get3A_406 = arith.constant 16 : index
        %get3A_407 = tpu.vector_load %arg4[%get3A_404, %get3A_405, %get3A_406] {strides = array<i32>} : memref<2x64x512xf32, #tpu.memory_space<vmem>>, vector<1x1x16xf32>,
        %get3A_408 = vector.shape_cast %get3A_407 : vector<1x1x16xf32> to vector<16xf32>
        %get3A_409 = arith.constant 0 : i32
        %get3A_410 = arith.index_cast %get3A_409 : i32 to index
        %get3A_411 = arith.index_cast %scan3A_365 : i32 to index
        %get3A_412 = arith.constant 32 : index
        %get3A_413 = tpu.vector_load %arg4[%get3A_410, %get3A_411, %get3A_412] {strides = array<i32>} : memref<2x64x512xf32, #tpu.memory_space<vmem>>, vector<1x1x16xf32>,
        %get3A_414 = vector.shape_cast %get3A_413 : vector<1x1x16xf32> to vector<16xf32>
        %get3A_415 = arith.constant 0 : i32
        %get3A_416 = arith.index_cast %get3A_415 : i32 to index
        %get3A_417 = arith.index_cast %scan3A_365 : i32 to index
        %get3A_418 = arith.constant 48 : index
        %get3A_419 = tpu.vector_load %arg4[%get3A_416, %get3A_417, %get3A_418] {strides = array<i32>} : memref<2x64x512xf32, #tpu.memory_space<vmem>>, vector<1x1x16xf32>,
        %get3A_420 = vector.shape_cast %get3A_419 : vector<1x1x16xf32> to vector<16xf32>
        %get3A_421 = arith.constant 0 : i32
        %get3A_422 = arith.index_cast %get3A_421 : i32 to index
        %get3A_423 = arith.index_cast %scan3A_365 : i32 to index
        %get3A_424 = arith.constant 64 : index
        %get3A_425 = tpu.vector_load %arg4[%get3A_422, %get3A_423, %get3A_424] {strides = array<i32>} : memref<2x64x512xf32, #tpu.memory_space<vmem>>, vector<1x1x16xf32>,
        %get3A_426 = vector.shape_cast %get3A_425 : vector<1x1x16xf32> to vector<16xf32>
        %get3A_427 = arith.constant 0 : i32
        %get3A_428 = arith.index_cast %get3A_427 : i32 to index
        %get3A_429 = arith.index_cast %scan3A_365 : i32 to index
        %get3A_430 = arith.constant 80 : index
        %get3A_431 = tpu.vector_load %arg4[%get3A_428, %get3A_429, %get3A_430] {strides = array<i32>} : memref<2x64x512xf32, #tpu.memory_space<vmem>>, vector<1x1x16xf32>,
        %get3A_432 = vector.shape_cast %get3A_431 : vector<1x1x16xf32> to vector<16xf32>
        %get3A_433 = arith.constant 0 : i32
        %get3A_434 = arith.index_cast %get3A_433 : i32 to index
        %get3A_435 = arith.index_cast %scan3A_365 : i32 to index
        %get3A_436 = arith.constant 96 : index
        %get3A_437 = tpu.vector_load %arg4[%get3A_434, %get3A_435, %get3A_436] {strides = array<i32>} : memref<2x64x512xf32, #tpu.memory_space<vmem>>, vector<1x1x16xf32>,
        %get3A_438 = vector.shape_cast %get3A_437 : vector<1x1x16xf32> to vector<16xf32>
        %get3A_439 = arith.constant 0 : i32
        %get3A_440 = arith.index_cast %get3A_439 : i32 to index
        %get3A_441 = arith.index_cast %scan3A_365 : i32 to index
        %get3A_442 = arith.constant 112 : index
        %get3A_443 = tpu.vector_load %arg4[%get3A_440, %get3A_441, %get3A_442] {strides = array<i32>} : memref<2x64x512xf32, #tpu.memory_space<vmem>>, vector<1x1x16xf32>,
        %get3A_444 = vector.shape_cast %get3A_443 : vector<1x1x16xf32> to vector<16xf32>
        %get3A_445 = arith.constant 0 : i32
        %get3A_446 = arith.index_cast %get3A_445 : i32 to index
        %get3A_447 = arith.index_cast %scan3A_365 : i32 to index
        %get3A_448 = arith.constant 128 : index
        %get3A_449 = tpu.vector_load %arg4[%get3A_446, %get3A_447, %get3A_448] {strides = array<i32>} : memref<2x64x512xf32, #tpu.memory_space<vmem>>, vector<1x1x16xf32>,
        %get3A_450 = vector.shape_cast %get3A_449 : vector<1x1x16xf32> to vector<16xf32>
        %get3A_451 = arith.constant 0 : i32
        %get3A_452 = arith.index_cast %get3A_451 : i32 to index
        %get3A_453 = arith.index_cast %scan3A_365 : i32 to index
        %get3A_454 = arith.constant 144 : index
        %get3A_455 = tpu.vector_load %arg4[%get3A_452, %get3A_453, %get3A_454] {strides = array<i32>} : memref<2x64x512xf32, #tpu.memory_space<vmem>>, vector<1x1x16xf32>,
        %get3A_456 = vector.shape_cast %get3A_455 : vector<1x1x16xf32> to vector<16xf32>
        %get3A_457 = arith.constant 0 : i32
        %get3A_458 = arith.index_cast %get3A_457 : i32 to index
        %get3A_459 = arith.index_cast %scan3A_365 : i32 to index
        %get3A_460 = arith.constant 160 : index
        %get3A_461 = tpu.vector_load %arg4[%get3A_458, %get3A_459, %get3A_460] {strides = array<i32>} : memref<2x64x512xf32, #tpu.memory_space<vmem>>, vector<1x1x16xf32>,
        %get3A_462 = vector.shape_cast %get3A_461 : vector<1x1x16xf32> to vector<16xf32>
        %get3A_463 = arith.constant 0 : i32
        %get3A_464 = arith.index_cast %get3A_463 : i32 to index
        %get3A_465 = arith.index_cast %scan3A_365 : i32 to index
        %get3A_466 = arith.constant 176 : index
        %get3A_467 = tpu.vector_load %arg4[%get3A_464, %get3A_465, %get3A_466] {strides = array<i32>} : memref<2x64x512xf32, #tpu.memory_space<vmem>>, vector<1x1x16xf32>,
        %get3A_468 = vector.shape_cast %get3A_467 : vector<1x1x16xf32> to vector<16xf32>
        %get3A_469 = arith.constant 0 : i32
        %get3A_470 = arith.index_cast %get3A_469 : i32 to index
        %get3A_471 = arith.index_cast %scan3A_365 : i32 to index
        %get3A_472 = arith.constant 192 : index
        %get3A_473 = tpu.vector_load %arg4[%get3A_470, %get3A_471, %get3A_472] {strides = array<i32>} : memref<2x64x512xf32, #tpu.memory_space<vmem>>, vector<1x1x16xf32>,
        %get3A_474 = vector.shape_cast %get3A_473 : vector<1x1x16xf32> to vector<16xf32>
        %get3A_475 = arith.constant 0 : i32
        %get3A_476 = arith.index_cast %get3A_475 : i32 to index
        %get3A_477 = arith.index_cast %scan3A_365 : i32 to index
        %get3A_478 = arith.constant 208 : index
        %get3A_479 = tpu.vector_load %arg4[%get3A_476, %get3A_477, %get3A_478] {strides = array<i32>} : memref<2x64x512xf32, #tpu.memory_space<vmem>>, vector<1x1x16xf32>,
        %get3A_480 = vector.shape_cast %get3A_479 : vector<1x1x16xf32> to vector<16xf32>
        %get3A_481 = arith.constant 0 : i32
        %get3A_482 = arith.index_cast %get3A_481 : i32 to index
        %get3A_483 = arith.index_cast %scan3A_365 : i32 to index
        %get3A_484 = arith.constant 224 : index
        %get3A_485 = tpu.vector_load %arg4[%get3A_482, %get3A_483, %get3A_484] {strides = array<i32>} : memref<2x64x512xf32, #tpu.memory_space<vmem>>, vector<1x1x16xf32>,
        %get3A_486 = vector.shape_cast %get3A_485 : vector<1x1x16xf32> to vector<16xf32>
        %get3A_487 = arith.constant 0 : i32
        %get3A_488 = arith.index_cast %get3A_487 : i32 to index
        %get3A_489 = arith.index_cast %scan3A_365 : i32 to index
        %get3A_490 = arith.constant 240 : index
        %get3A_491 = tpu.vector_load %arg4[%get3A_488, %get3A_489, %get3A_490] {strides = array<i32>} : memref<2x64x512xf32, #tpu.memory_space<vmem>>, vector<1x1x16xf32>,
        %get3A_492 = vector.shape_cast %get3A_491 : vector<1x1x16xf32> to vector<16xf32>
        %get3A_493 = arith.constant 0 : i32
        %get3A_494 = arith.index_cast %get3A_493 : i32 to index
        %get3A_495 = arith.index_cast %scan3A_365 : i32 to index
        %get3A_496 = arith.constant 256 : index
        %get3A_497 = tpu.vector_load %arg4[%get3A_494, %get3A_495, %get3A_496] {strides = array<i32>} : memref<2x64x512xf32, #tpu.memory_space<vmem>>, vector<1x1x16xf32>,
        %get3A_498 = vector.shape_cast %get3A_497 : vector<1x1x16xf32> to vector<16xf32>
        %get3A_499 = arith.constant 0 : i32
        %get3A_500 = arith.index_cast %get3A_499 : i32 to index
        %get3A_501 = arith.index_cast %scan3A_365 : i32 to index
        %get3A_502 = arith.constant 272 : index
        %get3A_503 = tpu.vector_load %arg4[%get3A_500, %get3A_501, %get3A_502] {strides = array<i32>} : memref<2x64x512xf32, #tpu.memory_space<vmem>>, vector<1x1x16xf32>,
        %get3A_504 = vector.shape_cast %get3A_503 : vector<1x1x16xf32> to vector<16xf32>
        %get3A_505 = arith.constant 0 : i32
        %get3A_506 = arith.index_cast %get3A_505 : i32 to index
        %get3A_507 = arith.index_cast %scan3A_365 : i32 to index
        %get3A_508 = arith.constant 288 : index
        %get3A_509 = tpu.vector_load %arg4[%get3A_506, %get3A_507, %get3A_508] {strides = array<i32>} : memref<2x64x512xf32, #tpu.memory_space<vmem>>, vector<1x1x16xf32>,
        %get3A_510 = vector.shape_cast %get3A_509 : vector<1x1x16xf32> to vector<16xf32>
        %get3A_511 = arith.constant 0 : i32
        %get3A_512 = arith.index_cast %get3A_511 : i32 to index
        %get3A_513 = arith.index_cast %scan3A_365 : i32 to index
        %get3A_514 = arith.constant 304 : index
        %get3A_515 = tpu.vector_load %arg4[%get3A_512, %get3A_513, %get3A_514] {strides = array<i32>} : memref<2x64x512xf32, #tpu.memory_space<vmem>>, vector<1x1x16xf32>,
        %get3A_516 = vector.shape_cast %get3A_515 : vector<1x1x16xf32> to vector<16xf32>
        %get3A_517 = arith.constant 0 : i32
        %get3A_518 = arith.index_cast %get3A_517 : i32 to index
        %get3A_519 = arith.index_cast %scan3A_365 : i32 to index
        %get3A_520 = arith.constant 320 : index
        %get3A_521 = tpu.vector_load %arg4[%get3A_518, %get3A_519, %get3A_520] {strides = array<i32>} : memref<2x64x512xf32, #tpu.memory_space<vmem>>, vector<1x1x16xf32>,
        %get3A_522 = vector.shape_cast %get3A_521 : vector<1x1x16xf32> to vector<16xf32>
        %get3A_523 = arith.constant 0 : i32
        %get3A_524 = arith.index_cast %get3A_523 : i32 to index
        %get3A_525 = arith.index_cast %scan3A_365 : i32 to index
        %get3A_526 = arith.constant 336 : index
        %get3A_527 = tpu.vector_load %arg4[%get3A_524, %get3A_525, %get3A_526] {strides = array<i32>} : memref<2x64x512xf32, #tpu.memory_space<vmem>>, vector<1x1x16xf32>,
        %get3A_528 = vector.shape_cast %get3A_527 : vector<1x1x16xf32> to vector<16xf32>
        %get3A_529 = arith.constant 0 : i32
        %get3A_530 = arith.index_cast %get3A_529 : i32 to index
        %get3A_531 = arith.index_cast %scan3A_365 : i32 to index
        %get3A_532 = arith.constant 352 : index
        %get3A_533 = tpu.vector_load %arg4[%get3A_530, %get3A_531, %get3A_532] {strides = array<i32>} : memref<2x64x512xf32, #tpu.memory_space<vmem>>, vector<1x1x16xf32>,
        %get3A_534 = vector.shape_cast %get3A_533 : vector<1x1x16xf32> to vector<16xf32>
        %get3A_535 = arith.constant 0 : i32
        %get3A_536 = arith.index_cast %get3A_535 : i32 to index
        %get3A_537 = arith.index_cast %scan3A_365 : i32 to index
        %get3A_538 = arith.constant 368 : index
        %get3A_539 = tpu.vector_load %arg4[%get3A_536, %get3A_537, %get3A_538] {strides = array<i32>} : memref<2x64x512xf32, #tpu.memory_space<vmem>>, vector<1x1x16xf32>,
        %get3A_540 = vector.shape_cast %get3A_539 : vector<1x1x16xf32> to vector<16xf32>
        %get3A_541 = arith.constant 0 : i32
        %get3A_542 = arith.index_cast %get3A_541 : i32 to index
        %get3A_543 = arith.index_cast %scan3A_365 : i32 to index
        %get3A_544 = arith.constant 384 : index
        %get3A_545 = tpu.vector_load %arg4[%get3A_542, %get3A_543, %get3A_544] {strides = array<i32>} : memref<2x64x512xf32, #tpu.memory_space<vmem>>, vector<1x1x16xf32>,
        %get3A_546 = vector.shape_cast %get3A_545 : vector<1x1x16xf32> to vector<16xf32>
        %get3A_547 = arith.constant 0 : i32
        %get3A_548 = arith.index_cast %get3A_547 : i32 to index
        %get3A_549 = arith.index_cast %scan3A_365 : i32 to index
        %get3A_550 = arith.constant 400 : index
        %get3A_551 = tpu.vector_load %arg4[%get3A_548, %get3A_549, %get3A_550] {strides = array<i32>} : memref<2x64x512xf32, #tpu.memory_space<vmem>>, vector<1x1x16xf32>,
        %get3A_552 = vector.shape_cast %get3A_551 : vector<1x1x16xf32> to vector<16xf32>
        %get3A_553 = arith.constant 0 : i32
        %get3A_554 = arith.index_cast %get3A_553 : i32 to index
        %get3A_555 = arith.index_cast %scan3A_365 : i32 to index
        %get3A_556 = arith.constant 416 : index
        %get3A_557 = tpu.vector_load %arg4[%get3A_554, %get3A_555, %get3A_556] {strides = array<i32>} : memref<2x64x512xf32, #tpu.memory_space<vmem>>, vector<1x1x16xf32>,
        %get3A_558 = vector.shape_cast %get3A_557 : vector<1x1x16xf32> to vector<16xf32>
        %get3A_559 = arith.constant 0 : i32
        %get3A_560 = arith.index_cast %get3A_559 : i32 to index
        %get3A_561 = arith.index_cast %scan3A_365 : i32 to index
        %get3A_562 = arith.constant 432 : index
        %get3A_563 = tpu.vector_load %arg4[%get3A_560, %get3A_561, %get3A_562] {strides = array<i32>} : memref<2x64x512xf32, #tpu.memory_space<vmem>>, vector<1x1x16xf32>,
        %get3A_564 = vector.shape_cast %get3A_563 : vector<1x1x16xf32> to vector<16xf32>
        %get3A_565 = arith.constant 0 : i32
        %get3A_566 = arith.index_cast %get3A_565 : i32 to index
        %get3A_567 = arith.index_cast %scan3A_365 : i32 to index
        %get3A_568 = arith.constant 448 : index
        %get3A_569 = tpu.vector_load %arg4[%get3A_566, %get3A_567, %get3A_568] {strides = array<i32>} : memref<2x64x512xf32, #tpu.memory_space<vmem>>, vector<1x1x16xf32>,
        %get3A_570 = vector.shape_cast %get3A_569 : vector<1x1x16xf32> to vector<16xf32>
        %get3A_571 = arith.constant 0 : i32
        %get3A_572 = arith.index_cast %get3A_571 : i32 to index
        %get3A_573 = arith.index_cast %scan3A_365 : i32 to index
        %get3A_574 = arith.constant 464 : index
        %get3A_575 = tpu.vector_load %arg4[%get3A_572, %get3A_573, %get3A_574] {strides = array<i32>} : memref<2x64x512xf32, #tpu.memory_space<vmem>>, vector<1x1x16xf32>,
        %get3A_576 = vector.shape_cast %get3A_575 : vector<1x1x16xf32> to vector<16xf32>
        %get3A_577 = arith.constant 0 : i32
        %get3A_578 = arith.index_cast %get3A_577 : i32 to index
        %get3A_579 = arith.index_cast %scan3A_365 : i32 to index
        %get3A_580 = arith.constant 480 : index
        %get3A_581 = tpu.vector_load %arg4[%get3A_578, %get3A_579, %get3A_580] {strides = array<i32>} : memref<2x64x512xf32, #tpu.memory_space<vmem>>, vector<1x1x16xf32>,
        %get3A_582 = vector.shape_cast %get3A_581 : vector<1x1x16xf32> to vector<16xf32>
        %get3A_583 = arith.constant 0 : i32
        %get3A_584 = arith.index_cast %get3A_583 : i32 to index
        %get3A_585 = arith.index_cast %scan3A_365 : i32 to index
        %get3A_586 = arith.constant 496 : index
        %get3A_587 = tpu.vector_load %arg4[%get3A_584, %get3A_585, %get3A_586] {strides = array<i32>} : memref<2x64x512xf32, #tpu.memory_space<vmem>>, vector<1x1x16xf32>,
        %get3A_588 = vector.shape_cast %get3A_587 : vector<1x1x16xf32> to vector<16xf32>
        %add3A_589 = arith.addf %scan3A_366, %get3A_402 : vector<16xf32>
        %add3A_590 = arith.addf %scan3A_367, %get3A_408 : vector<16xf32>
        %add3A_591 = arith.addf %scan3A_368, %get3A_414 : vector<16xf32>
        %add3A_592 = arith.addf %scan3A_369, %get3A_420 : vector<16xf32>
        %add3A_593 = arith.addf %scan3A_370, %get3A_426 : vector<16xf32>
        %add3A_594 = arith.addf %scan3A_371, %get3A_432 : vector<16xf32>
        %add3A_595 = arith.addf %scan3A_372, %get3A_438 : vector<16xf32>
        %add3A_596 = arith.addf %scan3A_373, %get3A_444 : vector<16xf32>
        %add3A_597 = arith.addf %scan3A_374, %get3A_450 : vector<16xf32>
        %add3A_598 = arith.addf %scan3A_375, %get3A_456 : vector<16xf32>
        %add3A_599 = arith.addf %scan3A_376, %get3A_462 : vector<16xf32>
        %add3A_600 = arith.addf %scan3A_377, %get3A_468 : vector<16xf32>
        %add3A_601 = arith.addf %scan3A_378, %get3A_474 : vector<16xf32>
        %add3A_602 = arith.addf %scan3A_379, %get3A_480 : vector<16xf32>
        %add3A_603 = arith.addf %scan3A_380, %get3A_486 : vector<16xf32>
        %add3A_604 = arith.addf %scan3A_381, %get3A_492 : vector<16xf32>
        %add3A_605 = arith.addf %scan3A_382, %get3A_498 : vector<16xf32>
        %add3A_606 = arith.addf %scan3A_383, %get3A_504 : vector<16xf32>
        %add3A_607 = arith.addf %scan3A_384, %get3A_510 : vector<16xf32>
        %add3A_608 = arith.addf %scan3A_385, %get3A_516 : vector<16xf32>
        %add3A_609 = arith.addf %scan3A_386, %get3A_522 : vector<16xf32>
        %add3A_610 = arith.addf %scan3A_387, %get3A_528 : vector<16xf32>
        %add3A_611 = arith.addf %scan3A_388, %get3A_534 : vector<16xf32>
        %add3A_612 = arith.addf %scan3A_389, %get3A_540 : vector<16xf32>
        %add3A_613 = arith.addf %scan3A_390, %get3A_546 : vector<16xf32>
        %add3A_614 = arith.addf %scan3A_391, %get3A_552 : vector<16xf32>
        %add3A_615 = arith.addf %scan3A_392, %get3A_558 : vector<16xf32>
        %add3A_616 = arith.addf %scan3A_393, %get3A_564 : vector<16xf32>
        %add3A_617 = arith.addf %scan3A_394, %get3A_570 : vector<16xf32>
        %add3A_618 = arith.addf %scan3A_395, %get3A_576 : vector<16xf32>
        %add3A_619 = arith.addf %scan3A_396, %get3A_582 : vector<16xf32>
        %add3A_620 = arith.addf %scan3A_397, %get3A_588 : vector<16xf32>
        scf.yield %add3A_589, %add3A_590, %add3A_591, %add3A_592, %add3A_593, %add3A_594, %add3A_595, %add3A_596, %add3A_597, %add3A_598, %add3A_599, %add3A_600, %add3A_601, %add3A_602, %add3A_603, %add3A_604, %add3A_605, %add3A_606, %add3A_607, %add3A_608, %add3A_609, %add3A_610, %add3A_611, %add3A_612, %add3A_613, %add3A_614, %add3A_615, %add3A_616, %add3A_617, %add3A_618, %add3A_619, %add3A_620 : vector<16xf32>, vector<16xf32>, vector<16xf32>, vector<16xf32>, vector<16xf32>, vector<16xf32>, vector<16xf32>, vector<16xf32>, vector<16xf32>, vector<16xf32>, vector<16xf32>, vector<16xf32>, vector<16xf32>, vector<16xf32>, vector<16xf32>, vector<16xf32>, vector<16xf32>, vector<16xf32>, vector<16xf32>, vector<16xf32>, vector<16xf32>, vector<16xf32>, vector<16xf32>, vector<16xf32>, vector<16xf32>, vector<16xf32>, vector<16xf32>, vector<16xf32>, vector<16xf32>, vector<16xf32>, vector<16xf32>, vector<16xf32>
      }
      %scan3A_338 = arith.constant 64 : i32
      %add3A_339 = arith.constant 2 : i32
      %add3A_340 = arith.addi %add3A_298, %add3A_339 : i32
      %lt3A_341 = arith.constant 13 : i32
      %lt3A_342 = arith.cmpi slt, %add3A_340, %lt3A_341 : i32
      %convert_element_type3A = arith.extui %lt3A_342 : i1 to i32
      %cond3A = arith.constant 0 : i32
      %cond3A_343 = arith.cmpi ne, %convert_element_type3A, %cond3A : i32
      scf.if %cond3A_343 {
        %add3A_365 = arith.constant 2 : i32
        %add3A_366 = arith.addi %add3A_298, %add3A_365 : i32
        %mul3A_367 = arith.constant 64 : i32
        %mul3A_368 = arith.muli %add3A_366, %mul3A_367 : i32
        %add3A_369 = arith.constant 1216 : i32
        %add3A_370 = arith.addi %add3A_369, %mul3A_368 : i32
        %dma_start3A_371 = arith.constant 0 : i32
        %dma_start3A_372 = arith.constant 0 : i32
        %dma_start3A_373 = arith.constant 0 : i32
        %dma_start3A_374 = tpu.memref_slice %arg4[%dma_start3A_371, %dma_start3A_372, %dma_start3A_373] : memref<2x64x512xf32, #tpu.memory_space<vmem>> -> memref<1x64x512xf32, #tpu.memory_space<vmem>>
        %dma_start3A_375 = tpu.memref_squeeze %dma_start3A_374 : memref<1x64x512xf32, #tpu.memory_space<vmem>> -> memref<64x512xf32, #tpu.memory_space<vmem>>
        %dma_start3A_376 = tpu.memref_slice %arg2[%select_n3A, %add3A_370, %mul3A_32] : memref<16x2048x1024xf32, #tpu.memory_space<hbm>> -> memref<1x64x512xf32, #tpu.memory_space<hbm>>
        %dma_start3A_377 = tpu.memref_squeeze %dma_start3A_376 : memref<1x64x512xf32, #tpu.memory_space<hbm>> -> memref<64x512xf32, #tpu.memory_space<hbm>>
        %dma_start3A_378 = arith.constant 0 : i32
        %dma_start3A_379 = arith.constant 0 : i32
        %dma_start3A_380 = tpu.memref_slice %arg4[%dma_start3A_371, %dma_start3A_378, %dma_start3A_379] : memref<2x64x512xf32, #tpu.memory_space<vmem>> -> memref<1x64x512xf32, #tpu.memory_space<vmem>>
        %dma_start3A_381 = tpu.memref_squeeze %dma_start3A_380 : memref<1x64x512xf32, #tpu.memory_space<vmem>> -> memref<64x512xf32, #tpu.memory_space<vmem>>
        %dma_start3A_382 = tpu.memref_slice %arg2[%select_n3A, %add3A_370, %mul3A_32] : memref<16x2048x1024xf32, #tpu.memory_space<hbm>> -> memref<1x64x512xf32, #tpu.memory_space<hbm>>
        %dma_start3A_383 = tpu.memref_squeeze %dma_start3A_382 : memref<1x64x512xf32, #tpu.memory_space<hbm>> -> memref<64x512xf32, #tpu.memory_space<hbm>>
        tpu.enqueue_dma source(%dma_start3A_383 : memref<64x512xf32, #tpu.memory_space<hbm>>) target(%dma_start3A_381 : memref<64x512xf32, #tpu.memory_space<vmem>>) target_semaphore(%arg6 : memref<!tpu.dma_semaphore, #tpu.memory_space<semaphore_mem>>)
      } else {
      }
      %dma_wait3A_344 = arith.constant 1 : i32
      %dma_wait3A_345 = arith.constant 0 : i32
      %dma_wait3A_346 = arith.constant 0 : i32
      %dma_wait3A_347 = tpu.memref_slice %arg4[%dma_wait3A_344, %dma_wait3A_345, %dma_wait3A_346] : memref<2x64x512xf32, #tpu.memory_space<vmem>> -> memref<1x64x512xf32, #tpu.memory_space<vmem>>
      %dma_wait3A_348 = tpu.memref_squeeze %dma_wait3A_347 : memref<1x64x512xf32, #tpu.memory_space<vmem>> -> memref<64x512xf32, #tpu.memory_space<vmem>>
      %dma_wait3A_349 = arith.constant 0 : i32
      %dma_wait3A_350 = tpu.memref_slice %arg2[%select_n3A, %dma_wait3A_349, %mul3A_32] : memref<16x2048x1024xf32, #tpu.memory_space<hbm>> -> memref<1x64x512xf32, #tpu.memory_space<hbm>>
      %dma_wait3A_351 = tpu.memref_squeeze %dma_wait3A_350 : memref<1x64x512xf32, #tpu.memory_space<hbm>> -> memref<64x512xf32, #tpu.memory_space<hbm>>
      %dma_wait3A_352 = arith.constant 0 : i32
      %dma_wait3A_353 = arith.constant 0 : i32
      %dma_wait3A_354 = tpu.memref_slice %arg4[%dma_wait3A_344, %dma_wait3A_352, %dma_wait3A_353] : memref<2x64x512xf32, #tpu.memory_space<vmem>> -> memref<1x64x512xf32, #tpu.memory_space<vmem>>
      %dma_wait3A_355 = tpu.memref_squeeze %dma_wait3A_354 : memref<1x64x512xf32, #tpu.memory_space<vmem>> -> memref<64x512xf32, #tpu.memory_space<vmem>>
      %dma_wait3A_356 = arith.constant 0 : i32
      %dma_wait3A_357 = tpu.memref_slice %arg2[%select_n3A, %dma_wait3A_356, %mul3A_32] : memref<16x2048x1024xf32, #tpu.memory_space<hbm>> -> memref<1x64x512xf32, #tpu.memory_space<hbm>>
      %dma_wait3A_358 = tpu.memref_squeeze %dma_wait3A_357 : memref<1x64x512xf32, #tpu.memory_space<hbm>> -> memref<64x512xf32, #tpu.memory_space<hbm>>
      tpu.wait_dma2 semaphore(%arg7 : memref<!tpu.dma_semaphore, #tpu.memory_space<semaphore_mem>>) src(%dma_wait3A_358 : memref<64x512xf32, #tpu.memory_space<hbm>>) dst(%dma_wait3A_355 : memref<64x512xf32, #tpu.memory_space<vmem>>)
      %scan3A_359 = arith.constant 0 : i32
      %scan3A_360 = arith.constant 64 : i32
      %scan3A_361 = arith.addi %scan3A_359, %scan3A_360 : i32
      %scan3A_362 = arith.constant 1 : i32
      %scan3A_363:32 = scf.for %scan3A_365 = %scan3A_359 to %scan3A_361 step %scan3A_362 iter_args(%scan3A_366 = %scan3A_337#0, %scan3A_367 = %scan3A_337#1, %scan3A_368 = %scan3A_337#2, %scan3A_369 = %scan3A_337#3, %scan3A_370 = %scan3A_337#4, %scan3A_371 = %scan3A_337#5, %scan3A_372 = %scan3A_337#6, %scan3A_373 = %scan3A_337#7, %scan3A_374 = %scan3A_337#8, %scan3A_375 = %scan3A_337#9, %scan3A_376 = %scan3A_337#10, %scan3A_377 = %scan3A_337#11, %scan3A_378 = %scan3A_337#12, %scan3A_379 = %scan3A_337#13, %scan3A_380 = %scan3A_337#14, %scan3A_381 = %scan3A_337#15, %scan3A_382 = %scan3A_337#16, %scan3A_383 = %scan3A_337#17, %scan3A_384 = %scan3A_337#18, %scan3A_385 = %scan3A_337#19, %scan3A_386 = %scan3A_337#20, %scan3A_387 = %scan3A_337#21, %scan3A_388 = %scan3A_337#22, %scan3A_389 = %scan3A_337#23, %scan3A_390 = %scan3A_337#24, %scan3A_391 = %scan3A_337#25, %scan3A_392 = %scan3A_337#26, %scan3A_393 = %scan3A_337#27, %scan3A_394 = %scan3A_337#28, %scan3A_395 = %scan3A_337#29, %scan3A_396 = %scan3A_337#30, %scan3A_397 = %scan3A_337#31) -> (vector<16xf32>, vector<16xf32>, vector<16xf32>, vector<16xf32>, vector<16xf32>, vector<16xf32>, vector<16xf32>, vector<16xf32>, vector<16xf32>, vector<16xf32>, vector<16xf32>, vector<16xf32>, vector<16xf32>, vector<16xf32>, vector<16xf32>, vector<16xf32>, vector<16xf32>, vector<16xf32>, vector<16xf32>, vector<16xf32>, vector<16xf32>, vector<16xf32>, vector<16xf32>, vector<16xf32>, vector<16xf32>, vector<16xf32>, vector<16xf32>, vector<16xf32>, vector<16xf32>, vector<16xf32>, vector<16xf32>, vector<16xf32>)  : i32 {
        %get3A = arith.constant 1 : i32
        %get3A_398 = arith.index_cast %get3A : i32 to index
        %get3A_399 = arith.index_cast %scan3A_365 : i32 to index
        %get3A_400 = arith.constant 0 : index
        %get3A_401 = tpu.vector_load %arg4[%get3A_398, %get3A_399, %get3A_400] {strides = array<i32>} : memref<2x64x512xf32, #tpu.memory_space<vmem>>, vector<1x1x16xf32>,
        %get3A_402 = vector.shape_cast %get3A_401 : vector<1x1x16xf32> to vector<16xf32>
        %get3A_403 = arith.constant 1 : i32
        %get3A_404 = arith.index_cast %get3A_403 : i32 to index
        %get3A_405 = arith.index_cast %scan3A_365 : i32 to index
        %get3A_406 = arith.constant 16 : index
        %get3A_407 = tpu.vector_load %arg4[%get3A_404, %get3A_405, %get3A_406] {strides = array<i32>} : memref<2x64x512xf32, #tpu.memory_space<vmem>>, vector<1x1x16xf32>,
        %get3A_408 = vector.shape_cast %get3A_407 : vector<1x1x16xf32> to vector<16xf32>
        %get3A_409 = arith.constant 1 : i32
        %get3A_410 = arith.index_cast %get3A_409 : i32 to index
        %get3A_411 = arith.index_cast %scan3A_365 : i32 to index
        %get3A_412 = arith.constant 32 : index
        %get3A_413 = tpu.vector_load %arg4[%get3A_410, %get3A_411, %get3A_412] {strides = array<i32>} : memref<2x64x512xf32, #tpu.memory_space<vmem>>, vector<1x1x16xf32>,
        %get3A_414 = vector.shape_cast %get3A_413 : vector<1x1x16xf32> to vector<16xf32>
        %get3A_415 = arith.constant 1 : i32
        %get3A_416 = arith.index_cast %get3A_415 : i32 to index
        %get3A_417 = arith.index_cast %scan3A_365 : i32 to index
        %get3A_418 = arith.constant 48 : index
        %get3A_419 = tpu.vector_load %arg4[%get3A_416, %get3A_417, %get3A_418] {strides = array<i32>} : memref<2x64x512xf32, #tpu.memory_space<vmem>>, vector<1x1x16xf32>,
        %get3A_420 = vector.shape_cast %get3A_419 : vector<1x1x16xf32> to vector<16xf32>
        %get3A_421 = arith.constant 1 : i32
        %get3A_422 = arith.index_cast %get3A_421 : i32 to index
        %get3A_423 = arith.index_cast %scan3A_365 : i32 to index
        %get3A_424 = arith.constant 64 : index
        %get3A_425 = tpu.vector_load %arg4[%get3A_422, %get3A_423, %get3A_424] {strides = array<i32>} : memref<2x64x512xf32, #tpu.memory_space<vmem>>, vector<1x1x16xf32>,
        %get3A_426 = vector.shape_cast %get3A_425 : vector<1x1x16xf32> to vector<16xf32>
        %get3A_427 = arith.constant 1 : i32
        %get3A_428 = arith.index_cast %get3A_427 : i32 to index
        %get3A_429 = arith.index_cast %scan3A_365 : i32 to index
        %get3A_430 = arith.constant 80 : index
        %get3A_431 = tpu.vector_load %arg4[%get3A_428, %get3A_429, %get3A_430] {strides = array<i32>} : memref<2x64x512xf32, #tpu.memory_space<vmem>>, vector<1x1x16xf32>,
        %get3A_432 = vector.shape_cast %get3A_431 : vector<1x1x16xf32> to vector<16xf32>
        %get3A_433 = arith.constant 1 : i32
        %get3A_434 = arith.index_cast %get3A_433 : i32 to index
        %get3A_435 = arith.index_cast %scan3A_365 : i32 to index
        %get3A_436 = arith.constant 96 : index
        %get3A_437 = tpu.vector_load %arg4[%get3A_434, %get3A_435, %get3A_436] {strides = array<i32>} : memref<2x64x512xf32, #tpu.memory_space<vmem>>, vector<1x1x16xf32>,
        %get3A_438 = vector.shape_cast %get3A_437 : vector<1x1x16xf32> to vector<16xf32>
        %get3A_439 = arith.constant 1 : i32
        %get3A_440 = arith.index_cast %get3A_439 : i32 to index
        %get3A_441 = arith.index_cast %scan3A_365 : i32 to index
        %get3A_442 = arith.constant 112 : index
        %get3A_443 = tpu.vector_load %arg4[%get3A_440, %get3A_441, %get3A_442] {strides = array<i32>} : memref<2x64x512xf32, #tpu.memory_space<vmem>>, vector<1x1x16xf32>,
        %get3A_444 = vector.shape_cast %get3A_443 : vector<1x1x16xf32> to vector<16xf32>
        %get3A_445 = arith.constant 1 : i32
        %get3A_446 = arith.index_cast %get3A_445 : i32 to index
        %get3A_447 = arith.index_cast %scan3A_365 : i32 to index
        %get3A_448 = arith.constant 128 : index
        %get3A_449 = tpu.vector_load %arg4[%get3A_446, %get3A_447, %get3A_448] {strides = array<i32>} : memref<2x64x512xf32, #tpu.memory_space<vmem>>, vector<1x1x16xf32>,
        %get3A_450 = vector.shape_cast %get3A_449 : vector<1x1x16xf32> to vector<16xf32>
        %get3A_451 = arith.constant 1 : i32
        %get3A_452 = arith.index_cast %get3A_451 : i32 to index
        %get3A_453 = arith.index_cast %scan3A_365 : i32 to index
        %get3A_454 = arith.constant 144 : index
        %get3A_455 = tpu.vector_load %arg4[%get3A_452, %get3A_453, %get3A_454] {strides = array<i32>} : memref<2x64x512xf32, #tpu.memory_space<vmem>>, vector<1x1x16xf32>,
        %get3A_456 = vector.shape_cast %get3A_455 : vector<1x1x16xf32> to vector<16xf32>
        %get3A_457 = arith.constant 1 : i32
        %get3A_458 = arith.index_cast %get3A_457 : i32 to index
        %get3A_459 = arith.index_cast %scan3A_365 : i32 to index
        %get3A_460 = arith.constant 160 : index
        %get3A_461 = tpu.vector_load %arg4[%get3A_458, %get3A_459, %get3A_460] {strides = array<i32>} : memref<2x64x512xf32, #tpu.memory_space<vmem>>, vector<1x1x16xf32>,
        %get3A_462 = vector.shape_cast %get3A_461 : vector<1x1x16xf32> to vector<16xf32>
        %get3A_463 = arith.constant 1 : i32
        %get3A_464 = arith.index_cast %get3A_463 : i32 to index
        %get3A_465 = arith.index_cast %scan3A_365 : i32 to index
        %get3A_466 = arith.constant 176 : index
        %get3A_467 = tpu.vector_load %arg4[%get3A_464, %get3A_465, %get3A_466] {strides = array<i32>} : memref<2x64x512xf32, #tpu.memory_space<vmem>>, vector<1x1x16xf32>,
        %get3A_468 = vector.shape_cast %get3A_467 : vector<1x1x16xf32> to vector<16xf32>
        %get3A_469 = arith.constant 1 : i32
        %get3A_470 = arith.index_cast %get3A_469 : i32 to index
        %get3A_471 = arith.index_cast %scan3A_365 : i32 to index
        %get3A_472 = arith.constant 192 : index
        %get3A_473 = tpu.vector_load %arg4[%get3A_470, %get3A_471, %get3A_472] {strides = array<i32>} : memref<2x64x512xf32, #tpu.memory_space<vmem>>, vector<1x1x16xf32>,
        %get3A_474 = vector.shape_cast %get3A_473 : vector<1x1x16xf32> to vector<16xf32>
        %get3A_475 = arith.constant 1 : i32
        %get3A_476 = arith.index_cast %get3A_475 : i32 to index
        %get3A_477 = arith.index_cast %scan3A_365 : i32 to index
        %get3A_478 = arith.constant 208 : index
        %get3A_479 = tpu.vector_load %arg4[%get3A_476, %get3A_477, %get3A_478] {strides = array<i32>} : memref<2x64x512xf32, #tpu.memory_space<vmem>>, vector<1x1x16xf32>,
        %get3A_480 = vector.shape_cast %get3A_479 : vector<1x1x16xf32> to vector<16xf32>
        %get3A_481 = arith.constant 1 : i32
        %get3A_482 = arith.index_cast %get3A_481 : i32 to index
        %get3A_483 = arith.index_cast %scan3A_365 : i32 to index
        %get3A_484 = arith.constant 224 : index
        %get3A_485 = tpu.vector_load %arg4[%get3A_482, %get3A_483, %get3A_484] {strides = array<i32>} : memref<2x64x512xf32, #tpu.memory_space<vmem>>, vector<1x1x16xf32>,
        %get3A_486 = vector.shape_cast %get3A_485 : vector<1x1x16xf32> to vector<16xf32>
        %get3A_487 = arith.constant 1 : i32
        %get3A_488 = arith.index_cast %get3A_487 : i32 to index
        %get3A_489 = arith.index_cast %scan3A_365 : i32 to index
        %get3A_490 = arith.constant 240 : index
        %get3A_491 = tpu.vector_load %arg4[%get3A_488, %get3A_489, %get3A_490] {strides = array<i32>} : memref<2x64x512xf32, #tpu.memory_space<vmem>>, vector<1x1x16xf32>,
        %get3A_492 = vector.shape_cast %get3A_491 : vector<1x1x16xf32> to vector<16xf32>
        %get3A_493 = arith.constant 1 : i32
        %get3A_494 = arith.index_cast %get3A_493 : i32 to index
        %get3A_495 = arith.index_cast %scan3A_365 : i32 to index
        %get3A_496 = arith.constant 256 : index
        %get3A_497 = tpu.vector_load %arg4[%get3A_494, %get3A_495, %get3A_496] {strides = array<i32>} : memref<2x64x512xf32, #tpu.memory_space<vmem>>, vector<1x1x16xf32>,
        %get3A_498 = vector.shape_cast %get3A_497 : vector<1x1x16xf32> to vector<16xf32>
        %get3A_499 = arith.constant 1 : i32
        %get3A_500 = arith.index_cast %get3A_499 : i32 to index
        %get3A_501 = arith.index_cast %scan3A_365 : i32 to index
        %get3A_502 = arith.constant 272 : index
        %get3A_503 = tpu.vector_load %arg4[%get3A_500, %get3A_501, %get3A_502] {strides = array<i32>} : memref<2x64x512xf32, #tpu.memory_space<vmem>>, vector<1x1x16xf32>,
        %get3A_504 = vector.shape_cast %get3A_503 : vector<1x1x16xf32> to vector<16xf32>
        %get3A_505 = arith.constant 1 : i32
        %get3A_506 = arith.index_cast %get3A_505 : i32 to index
        %get3A_507 = arith.index_cast %scan3A_365 : i32 to index
        %get3A_508 = arith.constant 288 : index
        %get3A_509 = tpu.vector_load %arg4[%get3A_506, %get3A_507, %get3A_508] {strides = array<i32>} : memref<2x64x512xf32, #tpu.memory_space<vmem>>, vector<1x1x16xf32>,
        %get3A_510 = vector.shape_cast %get3A_509 : vector<1x1x16xf32> to vector<16xf32>
        %get3A_511 = arith.constant 1 : i32
        %get3A_512 = arith.index_cast %get3A_511 : i32 to index
        %get3A_513 = arith.index_cast %scan3A_365 : i32 to index
        %get3A_514 = arith.constant 304 : index
        %get3A_515 = tpu.vector_load %arg4[%get3A_512, %get3A_513, %get3A_514] {strides = array<i32>} : memref<2x64x512xf32, #tpu.memory_space<vmem>>, vector<1x1x16xf32>,
        %get3A_516 = vector.shape_cast %get3A_515 : vector<1x1x16xf32> to vector<16xf32>
        %get3A_517 = arith.constant 1 : i32
        %get3A_518 = arith.index_cast %get3A_517 : i32 to index
        %get3A_519 = arith.index_cast %scan3A_365 : i32 to index
        %get3A_520 = arith.constant 320 : index
        %get3A_521 = tpu.vector_load %arg4[%get3A_518, %get3A_519, %get3A_520] {strides = array<i32>} : memref<2x64x512xf32, #tpu.memory_space<vmem>>, vector<1x1x16xf32>,
        %get3A_522 = vector.shape_cast %get3A_521 : vector<1x1x16xf32> to vector<16xf32>
        %get3A_523 = arith.constant 1 : i32
        %get3A_524 = arith.index_cast %get3A_523 : i32 to index
        %get3A_525 = arith.index_cast %scan3A_365 : i32 to index
        %get3A_526 = arith.constant 336 : index
        %get3A_527 = tpu.vector_load %arg4[%get3A_524, %get3A_525, %get3A_526] {strides = array<i32>} : memref<2x64x512xf32, #tpu.memory_space<vmem>>, vector<1x1x16xf32>,
        %get3A_528 = vector.shape_cast %get3A_527 : vector<1x1x16xf32> to vector<16xf32>
        %get3A_529 = arith.constant 1 : i32
        %get3A_530 = arith.index_cast %get3A_529 : i32 to index
        %get3A_531 = arith.index_cast %scan3A_365 : i32 to index
        %get3A_532 = arith.constant 352 : index
        %get3A_533 = tpu.vector_load %arg4[%get3A_530, %get3A_531, %get3A_532] {strides = array<i32>} : memref<2x64x512xf32, #tpu.memory_space<vmem>>, vector<1x1x16xf32>,
        %get3A_534 = vector.shape_cast %get3A_533 : vector<1x1x16xf32> to vector<16xf32>
        %get3A_535 = arith.constant 1 : i32
        %get3A_536 = arith.index_cast %get3A_535 : i32 to index
        %get3A_537 = arith.index_cast %scan3A_365 : i32 to index
        %get3A_538 = arith.constant 368 : index
        %get3A_539 = tpu.vector_load %arg4[%get3A_536, %get3A_537, %get3A_538] {strides = array<i32>} : memref<2x64x512xf32, #tpu.memory_space<vmem>>, vector<1x1x16xf32>,
        %get3A_540 = vector.shape_cast %get3A_539 : vector<1x1x16xf32> to vector<16xf32>
        %get3A_541 = arith.constant 1 : i32
        %get3A_542 = arith.index_cast %get3A_541 : i32 to index
        %get3A_543 = arith.index_cast %scan3A_365 : i32 to index
        %get3A_544 = arith.constant 384 : index
        %get3A_545 = tpu.vector_load %arg4[%get3A_542, %get3A_543, %get3A_544] {strides = array<i32>} : memref<2x64x512xf32, #tpu.memory_space<vmem>>, vector<1x1x16xf32>,
        %get3A_546 = vector.shape_cast %get3A_545 : vector<1x1x16xf32> to vector<16xf32>
        %get3A_547 = arith.constant 1 : i32
        %get3A_548 = arith.index_cast %get3A_547 : i32 to index
        %get3A_549 = arith.index_cast %scan3A_365 : i32 to index
        %get3A_550 = arith.constant 400 : index
        %get3A_551 = tpu.vector_load %arg4[%get3A_548, %get3A_549, %get3A_550] {strides = array<i32>} : memref<2x64x512xf32, #tpu.memory_space<vmem>>, vector<1x1x16xf32>,
        %get3A_552 = vector.shape_cast %get3A_551 : vector<1x1x16xf32> to vector<16xf32>
        %get3A_553 = arith.constant 1 : i32
        %get3A_554 = arith.index_cast %get3A_553 : i32 to index
        %get3A_555 = arith.index_cast %scan3A_365 : i32 to index
        %get3A_556 = arith.constant 416 : index
        %get3A_557 = tpu.vector_load %arg4[%get3A_554, %get3A_555, %get3A_556] {strides = array<i32>} : memref<2x64x512xf32, #tpu.memory_space<vmem>>, vector<1x1x16xf32>,
        %get3A_558 = vector.shape_cast %get3A_557 : vector<1x1x16xf32> to vector<16xf32>
        %get3A_559 = arith.constant 1 : i32
        %get3A_560 = arith.index_cast %get3A_559 : i32 to index
        %get3A_561 = arith.index_cast %scan3A_365 : i32 to index
        %get3A_562 = arith.constant 432 : index
        %get3A_563 = tpu.vector_load %arg4[%get3A_560, %get3A_561, %get3A_562] {strides = array<i32>} : memref<2x64x512xf32, #tpu.memory_space<vmem>>, vector<1x1x16xf32>,
        %get3A_564 = vector.shape_cast %get3A_563 : vector<1x1x16xf32> to vector<16xf32>
        %get3A_565 = arith.constant 1 : i32
        %get3A_566 = arith.index_cast %get3A_565 : i32 to index
        %get3A_567 = arith.index_cast %scan3A_365 : i32 to index
        %get3A_568 = arith.constant 448 : index
        %get3A_569 = tpu.vector_load %arg4[%get3A_566, %get3A_567, %get3A_568] {strides = array<i32>} : memref<2x64x512xf32, #tpu.memory_space<vmem>>, vector<1x1x16xf32>,
        %get3A_570 = vector.shape_cast %get3A_569 : vector<1x1x16xf32> to vector<16xf32>
        %get3A_571 = arith.constant 1 : i32
        %get3A_572 = arith.index_cast %get3A_571 : i32 to index
        %get3A_573 = arith.index_cast %scan3A_365 : i32 to index
        %get3A_574 = arith.constant 464 : index
        %get3A_575 = tpu.vector_load %arg4[%get3A_572, %get3A_573, %get3A_574] {strides = array<i32>} : memref<2x64x512xf32, #tpu.memory_space<vmem>>, vector<1x1x16xf32>,
        %get3A_576 = vector.shape_cast %get3A_575 : vector<1x1x16xf32> to vector<16xf32>
        %get3A_577 = arith.constant 1 : i32
        %get3A_578 = arith.index_cast %get3A_577 : i32 to index
        %get3A_579 = arith.index_cast %scan3A_365 : i32 to index
        %get3A_580 = arith.constant 480 : index
        %get3A_581 = tpu.vector_load %arg4[%get3A_578, %get3A_579, %get3A_580] {strides = array<i32>} : memref<2x64x512xf32, #tpu.memory_space<vmem>>, vector<1x1x16xf32>,
        %get3A_582 = vector.shape_cast %get3A_581 : vector<1x1x16xf32> to vector<16xf32>
        %get3A_583 = arith.constant 1 : i32
        %get3A_584 = arith.index_cast %get3A_583 : i32 to index
        %get3A_585 = arith.index_cast %scan3A_365 : i32 to index
        %get3A_586 = arith.constant 496 : index
        %get3A_587 = tpu.vector_load %arg4[%get3A_584, %get3A_585, %get3A_586] {strides = array<i32>} : memref<2x64x512xf32, #tpu.memory_space<vmem>>, vector<1x1x16xf32>,
        %get3A_588 = vector.shape_cast %get3A_587 : vector<1x1x16xf32> to vector<16xf32>
        %add3A_589 = arith.addf %scan3A_366, %get3A_402 : vector<16xf32>
        %add3A_590 = arith.addf %scan3A_367, %get3A_408 : vector<16xf32>
        %add3A_591 = arith.addf %scan3A_368, %get3A_414 : vector<16xf32>
        %add3A_592 = arith.addf %scan3A_369, %get3A_420 : vector<16xf32>
        %add3A_593 = arith.addf %scan3A_370, %get3A_426 : vector<16xf32>
        %add3A_594 = arith.addf %scan3A_371, %get3A_432 : vector<16xf32>
        %add3A_595 = arith.addf %scan3A_372, %get3A_438 : vector<16xf32>
        %add3A_596 = arith.addf %scan3A_373, %get3A_444 : vector<16xf32>
        %add3A_597 = arith.addf %scan3A_374, %get3A_450 : vector<16xf32>
        %add3A_598 = arith.addf %scan3A_375, %get3A_456 : vector<16xf32>
        %add3A_599 = arith.addf %scan3A_376, %get3A_462 : vector<16xf32>
        %add3A_600 = arith.addf %scan3A_377, %get3A_468 : vector<16xf32>
        %add3A_601 = arith.addf %scan3A_378, %get3A_474 : vector<16xf32>
        %add3A_602 = arith.addf %scan3A_379, %get3A_480 : vector<16xf32>
        %add3A_603 = arith.addf %scan3A_380, %get3A_486 : vector<16xf32>
        %add3A_604 = arith.addf %scan3A_381, %get3A_492 : vector<16xf32>
        %add3A_605 = arith.addf %scan3A_382, %get3A_498 : vector<16xf32>
        %add3A_606 = arith.addf %scan3A_383, %get3A_504 : vector<16xf32>
        %add3A_607 = arith.addf %scan3A_384, %get3A_510 : vector<16xf32>
        %add3A_608 = arith.addf %scan3A_385, %get3A_516 : vector<16xf32>
        %add3A_609 = arith.addf %scan3A_386, %get3A_522 : vector<16xf32>
        %add3A_610 = arith.addf %scan3A_387, %get3A_528 : vector<16xf32>
        %add3A_611 = arith.addf %scan3A_388, %get3A_534 : vector<16xf32>
        %add3A_612 = arith.addf %scan3A_389, %get3A_540 : vector<16xf32>
        %add3A_613 = arith.addf %scan3A_390, %get3A_546 : vector<16xf32>
        %add3A_614 = arith.addf %scan3A_391, %get3A_552 : vector<16xf32>
        %add3A_615 = arith.addf %scan3A_392, %get3A_558 : vector<16xf32>
        %add3A_616 = arith.addf %scan3A_393, %get3A_564 : vector<16xf32>
        %add3A_617 = arith.addf %scan3A_394, %get3A_570 : vector<16xf32>
        %add3A_618 = arith.addf %scan3A_395, %get3A_576 : vector<16xf32>
        %add3A_619 = arith.addf %scan3A_396, %get3A_582 : vector<16xf32>
        %add3A_620 = arith.addf %scan3A_397, %get3A_588 : vector<16xf32>
        scf.yield %add3A_589, %add3A_590, %add3A_591, %add3A_592, %add3A_593, %add3A_594, %add3A_595, %add3A_596, %add3A_597, %add3A_598, %add3A_599, %add3A_600, %add3A_601, %add3A_602, %add3A_603, %add3A_604, %add3A_605, %add3A_606, %add3A_607, %add3A_608, %add3A_609, %add3A_610, %add3A_611, %add3A_612, %add3A_613, %add3A_614, %add3A_615, %add3A_616, %add3A_617, %add3A_618, %add3A_619, %add3A_620 : vector<16xf32>, vector<16xf32>, vector<16xf32>, vector<16xf32>, vector<16xf32>, vector<16xf32>, vector<16xf32>, vector<16xf32>, vector<16xf32>, vector<16xf32>, vector<16xf32>, vector<16xf32>, vector<16xf32>, vector<16xf32>, vector<16xf32>, vector<16xf32>, vector<16xf32>, vector<16xf32>, vector<16xf32>, vector<16xf32>, vector<16xf32>, vector<16xf32>, vector<16xf32>, vector<16xf32>, vector<16xf32>, vector<16xf32>, vector<16xf32>, vector<16xf32>, vector<16xf32>, vector<16xf32>, vector<16xf32>, vector<16xf32>
      }
      %scan3A_364 = arith.constant 64 : i32
      scf.yield %scan3A_363#0, %scan3A_363#1, %scan3A_363#2, %scan3A_363#3, %scan3A_363#4, %scan3A_363#5, %scan3A_363#6, %scan3A_363#7, %scan3A_363#8, %scan3A_363#9, %scan3A_363#10, %scan3A_363#11, %scan3A_363#12, %scan3A_363#13, %scan3A_363#14, %scan3A_363#15, %scan3A_363#16, %scan3A_363#17, %scan3A_363#18, %scan3A_363#19, %scan3A_363#20, %scan3A_363#21, %scan3A_363#22, %scan3A_363#23, %scan3A_363#24, %scan3A_363#25, %scan3A_363#26, %scan3A_363#27, %scan3A_363#28, %scan3A_363#29, %scan3A_363#30, %scan3A_363#31 : vector<16xf32>, vector<16xf32>, vector<16xf32>, vector<16xf32>, vector<16xf32>, vector<16xf32>, vector<16xf32>, vector<16xf32>, vector<16xf32>, vector<16xf32>, vector<16xf32>, vector<16xf32>, vector<16xf32>, vector<16xf32>, vector<16xf32>, vector<16xf32>, vector<16xf32>, vector<16xf32>, vector<16xf32>, vector<16xf32>, vector<16xf32>, vector<16xf32>, vector<16xf32>, vector<16xf32>, vector<16xf32>, vector<16xf32>, vector<16xf32>, vector<16xf32>, vector<16xf32>, vector<16xf32>, vector<16xf32>, vector<16xf32>
    }
    %scan3A_114 = arith.constant 6 : i32
    %dma_wait3A = arith.constant 0 : i32
    %dma_wait3A_115 = arith.constant 0 : i32
    %dma_wait3A_116 = arith.constant 0 : i32
    %dma_wait3A_117 = tpu.memref_slice %arg4[%dma_wait3A, %dma_wait3A_115, %dma_wait3A_116] : memref<2x64x512xf32, #tpu.memory_space<vmem>> -> memref<1x64x512xf32, #tpu.memory_space<vmem>>
    %dma_wait3A_118 = tpu.memref_squeeze %dma_wait3A_117 : memref<1x64x512xf32, #tpu.memory_space<vmem>> -> memref<64x512xf32, #tpu.memory_space<vmem>>
    %dma_wait3A_119 = arith.constant 0 : i32
    %dma_wait3A_120 = tpu.memref_slice %arg2[%select_n3A, %dma_wait3A_119, %mul3A_32] : memref<16x2048x1024xf32, #tpu.memory_space<hbm>> -> memref<1x64x512xf32, #tpu.memory_space<hbm>>
    %dma_wait3A_121 = tpu.memref_squeeze %dma_wait3A_120 : memref<1x64x512xf32, #tpu.memory_space<hbm>> -> memref<64x512xf32, #tpu.memory_space<hbm>>
    %dma_wait3A_122 = arith.constant 0 : i32
    %dma_wait3A_123 = arith.constant 0 : i32
    %dma_wait3A_124 = tpu.memref_slice %arg4[%dma_wait3A, %dma_wait3A_122, %dma_wait3A_123] : memref<2x64x512xf32, #tpu.memory_space<vmem>> -> memref<1x64x512xf32, #tpu.memory_space<vmem>>
    %dma_wait3A_125 = tpu.memref_squeeze %dma_wait3A_124 : memref<1x64x512xf32, #tpu.memory_space<vmem>> -> memref<64x512xf32, #tpu.memory_space<vmem>>
    %dma_wait3A_126 = arith.constant 0 : i32
    %dma_wait3A_127 = tpu.memref_slice %arg2[%select_n3A, %dma_wait3A_126, %mul3A_32] : memref<16x2048x1024xf32, #tpu.memory_space<hbm>> -> memref<1x64x512xf32, #tpu.memory_space<hbm>>
    %dma_wait3A_128 = tpu.memref_squeeze %dma_wait3A_127 : memref<1x64x512xf32, #tpu.memory_space<hbm>> -> memref<64x512xf32, #tpu.memory_space<hbm>>
    tpu.wait_dma2 semaphore(%arg6 : memref<!tpu.dma_semaphore, #tpu.memory_space<semaphore_mem>>) src(%dma_wait3A_128 : memref<64x512xf32, #tpu.memory_space<hbm>>) dst(%dma_wait3A_125 : memref<64x512xf32, #tpu.memory_space<vmem>>)
    %scan3A_129 = arith.constant 0 : i32
    %scan3A_130 = arith.constant 64 : i32
    %scan3A_131 = arith.addi %scan3A_129, %scan3A_130 : i32
    %scan3A_132 = arith.constant 1 : i32
    %scan3A_133:32 = scf.for %scan3A_262 = %scan3A_129 to %scan3A_131 step %scan3A_132 iter_args(%scan3A_263 = %scan3A_113#0, %scan3A_264 = %scan3A_113#1, %scan3A_265 = %scan3A_113#2, %scan3A_266 = %scan3A_113#3, %scan3A_267 = %scan3A_113#4, %scan3A_268 = %scan3A_113#5, %scan3A_269 = %scan3A_113#6, %scan3A_270 = %scan3A_113#7, %scan3A_271 = %scan3A_113#8, %scan3A_272 = %scan3A_113#9, %scan3A_273 = %scan3A_113#10, %scan3A_274 = %scan3A_113#11, %scan3A_275 = %scan3A_113#12, %scan3A_276 = %scan3A_113#13, %scan3A_277 = %scan3A_113#14, %scan3A_278 = %scan3A_113#15, %scan3A_279 = %scan3A_113#16, %scan3A_280 = %scan3A_113#17, %scan3A_281 = %scan3A_113#18, %scan3A_282 = %scan3A_113#19, %scan3A_283 = %scan3A_113#20, %scan3A_284 = %scan3A_113#21, %scan3A_285 = %scan3A_113#22, %scan3A_286 = %scan3A_113#23, %scan3A_287 = %scan3A_113#24, %scan3A_288 = %scan3A_113#25, %scan3A_289 = %scan3A_113#26, %scan3A_290 = %scan3A_113#27, %scan3A_291 = %scan3A_113#28, %scan3A_292 = %scan3A_113#29, %scan3A_293 = %scan3A_113#30, %scan3A_294 = %scan3A_113#31) -> (vector<16xf32>, vector<16xf32>, vector<16xf32>, vector<16xf32>, vector<16xf32>, vector<16xf32>, vector<16xf32>, vector<16xf32>, vector<16xf32>, vector<16xf32>, vector<16xf32>, vector<16xf32>, vector<16xf32>, vector<16xf32>, vector<16xf32>, vector<16xf32>, vector<16xf32>, vector<16xf32>, vector<16xf32>, vector<16xf32>, vector<16xf32>, vector<16xf32>, vector<16xf32>, vector<16xf32>, vector<16xf32>, vector<16xf32>, vector<16xf32>, vector<16xf32>, vector<16xf32>, vector<16xf32>, vector<16xf32>, vector<16xf32>)  : i32 {
      %get3A = arith.constant 0 : i32
      %get3A_295 = arith.index_cast %get3A : i32 to index
      %get3A_296 = arith.index_cast %scan3A_262 : i32 to index
      %get3A_297 = arith.constant 0 : index
      %get3A_298 = tpu.vector_load %arg4[%get3A_295, %get3A_296, %get3A_297] {strides = array<i32>} : memref<2x64x512xf32, #tpu.memory_space<vmem>>, vector<1x1x16xf32>,
      %get3A_299 = vector.shape_cast %get3A_298 : vector<1x1x16xf32> to vector<16xf32>
      %get3A_300 = arith.constant 0 : i32
      %get3A_301 = arith.index_cast %get3A_300 : i32 to index
      %get3A_302 = arith.index_cast %scan3A_262 : i32 to index
      %get3A_303 = arith.constant 16 : index
      %get3A_304 = tpu.vector_load %arg4[%get3A_301, %get3A_302, %get3A_303] {strides = array<i32>} : memref<2x64x512xf32, #tpu.memory_space<vmem>>, vector<1x1x16xf32>,
      %get3A_305 = vector.shape_cast %get3A_304 : vector<1x1x16xf32> to vector<16xf32>
      %get3A_306 = arith.constant 0 : i32
      %get3A_307 = arith.index_cast %get3A_306 : i32 to index
      %get3A_308 = arith.index_cast %scan3A_262 : i32 to index
      %get3A_309 = arith.constant 32 : index
      %get3A_310 = tpu.vector_load %arg4[%get3A_307, %get3A_308, %get3A_309] {strides = array<i32>} : memref<2x64x512xf32, #tpu.memory_space<vmem>>, vector<1x1x16xf32>,
      %get3A_311 = vector.shape_cast %get3A_310 : vector<1x1x16xf32> to vector<16xf32>
      %get3A_312 = arith.constant 0 : i32
      %get3A_313 = arith.index_cast %get3A_312 : i32 to index
      %get3A_314 = arith.index_cast %scan3A_262 : i32 to index
      %get3A_315 = arith.constant 48 : index
      %get3A_316 = tpu.vector_load %arg4[%get3A_313, %get3A_314, %get3A_315] {strides = array<i32>} : memref<2x64x512xf32, #tpu.memory_space<vmem>>, vector<1x1x16xf32>,
      %get3A_317 = vector.shape_cast %get3A_316 : vector<1x1x16xf32> to vector<16xf32>
      %get3A_318 = arith.constant 0 : i32
      %get3A_319 = arith.index_cast %get3A_318 : i32 to index
      %get3A_320 = arith.index_cast %scan3A_262 : i32 to index
      %get3A_321 = arith.constant 64 : index
      %get3A_322 = tpu.vector_load %arg4[%get3A_319, %get3A_320, %get3A_321] {strides = array<i32>} : memref<2x64x512xf32, #tpu.memory_space<vmem>>, vector<1x1x16xf32>,
      %get3A_323 = vector.shape_cast %get3A_322 : vector<1x1x16xf32> to vector<16xf32>
      %get3A_324 = arith.constant 0 : i32
      %get3A_325 = arith.index_cast %get3A_324 : i32 to index
      %get3A_326 = arith.index_cast %scan3A_262 : i32 to index
      %get3A_327 = arith.constant 80 : index
      %get3A_328 = tpu.vector_load %arg4[%get3A_325, %get3A_326, %get3A_327] {strides = array<i32>} : memref<2x64x512xf32, #tpu.memory_space<vmem>>, vector<1x1x16xf32>,
      %get3A_329 = vector.shape_cast %get3A_328 : vector<1x1x16xf32> to vector<16xf32>
      %get3A_330 = arith.constant 0 : i32
      %get3A_331 = arith.index_cast %get3A_330 : i32 to index
      %get3A_332 = arith.index_cast %scan3A_262 : i32 to index
      %get3A_333 = arith.constant 96 : index
      %get3A_334 = tpu.vector_load %arg4[%get3A_331, %get3A_332, %get3A_333] {strides = array<i32>} : memref<2x64x512xf32, #tpu.memory_space<vmem>>, vector<1x1x16xf32>,
      %get3A_335 = vector.shape_cast %get3A_334 : vector<1x1x16xf32> to vector<16xf32>
      %get3A_336 = arith.constant 0 : i32
      %get3A_337 = arith.index_cast %get3A_336 : i32 to index
      %get3A_338 = arith.index_cast %scan3A_262 : i32 to index
      %get3A_339 = arith.constant 112 : index
      %get3A_340 = tpu.vector_load %arg4[%get3A_337, %get3A_338, %get3A_339] {strides = array<i32>} : memref<2x64x512xf32, #tpu.memory_space<vmem>>, vector<1x1x16xf32>,
      %get3A_341 = vector.shape_cast %get3A_340 : vector<1x1x16xf32> to vector<16xf32>
      %get3A_342 = arith.constant 0 : i32
      %get3A_343 = arith.index_cast %get3A_342 : i32 to index
      %get3A_344 = arith.index_cast %scan3A_262 : i32 to index
      %get3A_345 = arith.constant 128 : index
      %get3A_346 = tpu.vector_load %arg4[%get3A_343, %get3A_344, %get3A_345] {strides = array<i32>} : memref<2x64x512xf32, #tpu.memory_space<vmem>>, vector<1x1x16xf32>,
      %get3A_347 = vector.shape_cast %get3A_346 : vector<1x1x16xf32> to vector<16xf32>
      %get3A_348 = arith.constant 0 : i32
      %get3A_349 = arith.index_cast %get3A_348 : i32 to index
      %get3A_350 = arith.index_cast %scan3A_262 : i32 to index
      %get3A_351 = arith.constant 144 : index
      %get3A_352 = tpu.vector_load %arg4[%get3A_349, %get3A_350, %get3A_351] {strides = array<i32>} : memref<2x64x512xf32, #tpu.memory_space<vmem>>, vector<1x1x16xf32>,
      %get3A_353 = vector.shape_cast %get3A_352 : vector<1x1x16xf32> to vector<16xf32>
      %get3A_354 = arith.constant 0 : i32
      %get3A_355 = arith.index_cast %get3A_354 : i32 to index
      %get3A_356 = arith.index_cast %scan3A_262 : i32 to index
      %get3A_357 = arith.constant 160 : index
      %get3A_358 = tpu.vector_load %arg4[%get3A_355, %get3A_356, %get3A_357] {strides = array<i32>} : memref<2x64x512xf32, #tpu.memory_space<vmem>>, vector<1x1x16xf32>,
      %get3A_359 = vector.shape_cast %get3A_358 : vector<1x1x16xf32> to vector<16xf32>
      %get3A_360 = arith.constant 0 : i32
      %get3A_361 = arith.index_cast %get3A_360 : i32 to index
      %get3A_362 = arith.index_cast %scan3A_262 : i32 to index
      %get3A_363 = arith.constant 176 : index
      %get3A_364 = tpu.vector_load %arg4[%get3A_361, %get3A_362, %get3A_363] {strides = array<i32>} : memref<2x64x512xf32, #tpu.memory_space<vmem>>, vector<1x1x16xf32>,
      %get3A_365 = vector.shape_cast %get3A_364 : vector<1x1x16xf32> to vector<16xf32>
      %get3A_366 = arith.constant 0 : i32
      %get3A_367 = arith.index_cast %get3A_366 : i32 to index
      %get3A_368 = arith.index_cast %scan3A_262 : i32 to index
      %get3A_369 = arith.constant 192 : index
      %get3A_370 = tpu.vector_load %arg4[%get3A_367, %get3A_368, %get3A_369] {strides = array<i32>} : memref<2x64x512xf32, #tpu.memory_space<vmem>>, vector<1x1x16xf32>,
      %get3A_371 = vector.shape_cast %get3A_370 : vector<1x1x16xf32> to vector<16xf32>
      %get3A_372 = arith.constant 0 : i32
      %get3A_373 = arith.index_cast %get3A_372 : i32 to index
      %get3A_374 = arith.index_cast %scan3A_262 : i32 to index
      %get3A_375 = arith.constant 208 : index
      %get3A_376 = tpu.vector_load %arg4[%get3A_373, %get3A_374, %get3A_375] {strides = array<i32>} : memref<2x64x512xf32, #tpu.memory_space<vmem>>, vector<1x1x16xf32>,
      %get3A_377 = vector.shape_cast %get3A_376 : vector<1x1x16xf32> to vector<16xf32>
      %get3A_378 = arith.constant 0 : i32
      %get3A_379 = arith.index_cast %get3A_378 : i32 to index
      %get3A_380 = arith.index_cast %scan3A_262 : i32 to index
      %get3A_381 = arith.constant 224 : index
      %get3A_382 = tpu.vector_load %arg4[%get3A_379, %get3A_380, %get3A_381] {strides = array<i32>} : memref<2x64x512xf32, #tpu.memory_space<vmem>>, vector<1x1x16xf32>,
      %get3A_383 = vector.shape_cast %get3A_382 : vector<1x1x16xf32> to vector<16xf32>
      %get3A_384 = arith.constant 0 : i32
      %get3A_385 = arith.index_cast %get3A_384 : i32 to index
      %get3A_386 = arith.index_cast %scan3A_262 : i32 to index
      %get3A_387 = arith.constant 240 : index
      %get3A_388 = tpu.vector_load %arg4[%get3A_385, %get3A_386, %get3A_387] {strides = array<i32>} : memref<2x64x512xf32, #tpu.memory_space<vmem>>, vector<1x1x16xf32>,
      %get3A_389 = vector.shape_cast %get3A_388 : vector<1x1x16xf32> to vector<16xf32>
      %get3A_390 = arith.constant 0 : i32
      %get3A_391 = arith.index_cast %get3A_390 : i32 to index
      %get3A_392 = arith.index_cast %scan3A_262 : i32 to index
      %get3A_393 = arith.constant 256 : index
      %get3A_394 = tpu.vector_load %arg4[%get3A_391, %get3A_392, %get3A_393] {strides = array<i32>} : memref<2x64x512xf32, #tpu.memory_space<vmem>>, vector<1x1x16xf32>,
      %get3A_395 = vector.shape_cast %get3A_394 : vector<1x1x16xf32> to vector<16xf32>
      %get3A_396 = arith.constant 0 : i32
      %get3A_397 = arith.index_cast %get3A_396 : i32 to index
      %get3A_398 = arith.index_cast %scan3A_262 : i32 to index
      %get3A_399 = arith.constant 272 : index
      %get3A_400 = tpu.vector_load %arg4[%get3A_397, %get3A_398, %get3A_399] {strides = array<i32>} : memref<2x64x512xf32, #tpu.memory_space<vmem>>, vector<1x1x16xf32>,
      %get3A_401 = vector.shape_cast %get3A_400 : vector<1x1x16xf32> to vector<16xf32>
      %get3A_402 = arith.constant 0 : i32
      %get3A_403 = arith.index_cast %get3A_402 : i32 to index
      %get3A_404 = arith.index_cast %scan3A_262 : i32 to index
      %get3A_405 = arith.constant 288 : index
      %get3A_406 = tpu.vector_load %arg4[%get3A_403, %get3A_404, %get3A_405] {strides = array<i32>} : memref<2x64x512xf32, #tpu.memory_space<vmem>>, vector<1x1x16xf32>,
      %get3A_407 = vector.shape_cast %get3A_406 : vector<1x1x16xf32> to vector<16xf32>
      %get3A_408 = arith.constant 0 : i32
      %get3A_409 = arith.index_cast %get3A_408 : i32 to index
      %get3A_410 = arith.index_cast %scan3A_262 : i32 to index
      %get3A_411 = arith.constant 304 : index
      %get3A_412 = tpu.vector_load %arg4[%get3A_409, %get3A_410, %get3A_411] {strides = array<i32>} : memref<2x64x512xf32, #tpu.memory_space<vmem>>, vector<1x1x16xf32>,
      %get3A_413 = vector.shape_cast %get3A_412 : vector<1x1x16xf32> to vector<16xf32>
      %get3A_414 = arith.constant 0 : i32
      %get3A_415 = arith.index_cast %get3A_414 : i32 to index
      %get3A_416 = arith.index_cast %scan3A_262 : i32 to index
      %get3A_417 = arith.constant 320 : index
      %get3A_418 = tpu.vector_load %arg4[%get3A_415, %get3A_416, %get3A_417] {strides = array<i32>} : memref<2x64x512xf32, #tpu.memory_space<vmem>>, vector<1x1x16xf32>,
      %get3A_419 = vector.shape_cast %get3A_418 : vector<1x1x16xf32> to vector<16xf32>
      %get3A_420 = arith.constant 0 : i32
      %get3A_421 = arith.index_cast %get3A_420 : i32 to index
      %get3A_422 = arith.index_cast %scan3A_262 : i32 to index
      %get3A_423 = arith.constant 336 : index
      %get3A_424 = tpu.vector_load %arg4[%get3A_421, %get3A_422, %get3A_423] {strides = array<i32>} : memref<2x64x512xf32, #tpu.memory_space<vmem>>, vector<1x1x16xf32>,
      %get3A_425 = vector.shape_cast %get3A_424 : vector<1x1x16xf32> to vector<16xf32>
      %get3A_426 = arith.constant 0 : i32
      %get3A_427 = arith.index_cast %get3A_426 : i32 to index
      %get3A_428 = arith.index_cast %scan3A_262 : i32 to index
      %get3A_429 = arith.constant 352 : index
      %get3A_430 = tpu.vector_load %arg4[%get3A_427, %get3A_428, %get3A_429] {strides = array<i32>} : memref<2x64x512xf32, #tpu.memory_space<vmem>>, vector<1x1x16xf32>,
      %get3A_431 = vector.shape_cast %get3A_430 : vector<1x1x16xf32> to vector<16xf32>
      %get3A_432 = arith.constant 0 : i32
      %get3A_433 = arith.index_cast %get3A_432 : i32 to index
      %get3A_434 = arith.index_cast %scan3A_262 : i32 to index
      %get3A_435 = arith.constant 368 : index
      %get3A_436 = tpu.vector_load %arg4[%get3A_433, %get3A_434, %get3A_435] {strides = array<i32>} : memref<2x64x512xf32, #tpu.memory_space<vmem>>, vector<1x1x16xf32>,
      %get3A_437 = vector.shape_cast %get3A_436 : vector<1x1x16xf32> to vector<16xf32>
      %get3A_438 = arith.constant 0 : i32
      %get3A_439 = arith.index_cast %get3A_438 : i32 to index
      %get3A_440 = arith.index_cast %scan3A_262 : i32 to index
      %get3A_441 = arith.constant 384 : index
      %get3A_442 = tpu.vector_load %arg4[%get3A_439, %get3A_440, %get3A_441] {strides = array<i32>} : memref<2x64x512xf32, #tpu.memory_space<vmem>>, vector<1x1x16xf32>,
      %get3A_443 = vector.shape_cast %get3A_442 : vector<1x1x16xf32> to vector<16xf32>
      %get3A_444 = arith.constant 0 : i32
      %get3A_445 = arith.index_cast %get3A_444 : i32 to index
      %get3A_446 = arith.index_cast %scan3A_262 : i32 to index
      %get3A_447 = arith.constant 400 : index
      %get3A_448 = tpu.vector_load %arg4[%get3A_445, %get3A_446, %get3A_447] {strides = array<i32>} : memref<2x64x512xf32, #tpu.memory_space<vmem>>, vector<1x1x16xf32>,
      %get3A_449 = vector.shape_cast %get3A_448 : vector<1x1x16xf32> to vector<16xf32>
      %get3A_450 = arith.constant 0 : i32
      %get3A_451 = arith.index_cast %get3A_450 : i32 to index
      %get3A_452 = arith.index_cast %scan3A_262 : i32 to index
      %get3A_453 = arith.constant 416 : index
      %get3A_454 = tpu.vector_load %arg4[%get3A_451, %get3A_452, %get3A_453] {strides = array<i32>} : memref<2x64x512xf32, #tpu.memory_space<vmem>>, vector<1x1x16xf32>,
      %get3A_455 = vector.shape_cast %get3A_454 : vector<1x1x16xf32> to vector<16xf32>
      %get3A_456 = arith.constant 0 : i32
      %get3A_457 = arith.index_cast %get3A_456 : i32 to index
      %get3A_458 = arith.index_cast %scan3A_262 : i32 to index
      %get3A_459 = arith.constant 432 : index
      %get3A_460 = tpu.vector_load %arg4[%get3A_457, %get3A_458, %get3A_459] {strides = array<i32>} : memref<2x64x512xf32, #tpu.memory_space<vmem>>, vector<1x1x16xf32>,
      %get3A_461 = vector.shape_cast %get3A_460 : vector<1x1x16xf32> to vector<16xf32>
      %get3A_462 = arith.constant 0 : i32
      %get3A_463 = arith.index_cast %get3A_462 : i32 to index
      %get3A_464 = arith.index_cast %scan3A_262 : i32 to index
      %get3A_465 = arith.constant 448 : index
      %get3A_466 = tpu.vector_load %arg4[%get3A_463, %get3A_464, %get3A_465] {strides = array<i32>} : memref<2x64x512xf32, #tpu.memory_space<vmem>>, vector<1x1x16xf32>,
      %get3A_467 = vector.shape_cast %get3A_466 : vector<1x1x16xf32> to vector<16xf32>
      %get3A_468 = arith.constant 0 : i32
      %get3A_469 = arith.index_cast %get3A_468 : i32 to index
      %get3A_470 = arith.index_cast %scan3A_262 : i32 to index
      %get3A_471 = arith.constant 464 : index
      %get3A_472 = tpu.vector_load %arg4[%get3A_469, %get3A_470, %get3A_471] {strides = array<i32>} : memref<2x64x512xf32, #tpu.memory_space<vmem>>, vector<1x1x16xf32>,
      %get3A_473 = vector.shape_cast %get3A_472 : vector<1x1x16xf32> to vector<16xf32>
      %get3A_474 = arith.constant 0 : i32
      %get3A_475 = arith.index_cast %get3A_474 : i32 to index
      %get3A_476 = arith.index_cast %scan3A_262 : i32 to index
      %get3A_477 = arith.constant 480 : index
      %get3A_478 = tpu.vector_load %arg4[%get3A_475, %get3A_476, %get3A_477] {strides = array<i32>} : memref<2x64x512xf32, #tpu.memory_space<vmem>>, vector<1x1x16xf32>,
      %get3A_479 = vector.shape_cast %get3A_478 : vector<1x1x16xf32> to vector<16xf32>
      %get3A_480 = arith.constant 0 : i32
      %get3A_481 = arith.index_cast %get3A_480 : i32 to index
      %get3A_482 = arith.index_cast %scan3A_262 : i32 to index
      %get3A_483 = arith.constant 496 : index
      %get3A_484 = tpu.vector_load %arg4[%get3A_481, %get3A_482, %get3A_483] {strides = array<i32>} : memref<2x64x512xf32, #tpu.memory_space<vmem>>, vector<1x1x16xf32>,
      %get3A_485 = vector.shape_cast %get3A_484 : vector<1x1x16xf32> to vector<16xf32>
      %add3A_486 = arith.addf %scan3A_263, %get3A_299 : vector<16xf32>
      %add3A_487 = arith.addf %scan3A_264, %get3A_305 : vector<16xf32>
      %add3A_488 = arith.addf %scan3A_265, %get3A_311 : vector<16xf32>
      %add3A_489 = arith.addf %scan3A_266, %get3A_317 : vector<16xf32>
      %add3A_490 = arith.addf %scan3A_267, %get3A_323 : vector<16xf32>
      %add3A_491 = arith.addf %scan3A_268, %get3A_329 : vector<16xf32>
      %add3A_492 = arith.addf %scan3A_269, %get3A_335 : vector<16xf32>
      %add3A_493 = arith.addf %scan3A_270, %get3A_341 : vector<16xf32>
      %add3A_494 = arith.addf %scan3A_271, %get3A_347 : vector<16xf32>
      %add3A_495 = arith.addf %scan3A_272, %get3A_353 : vector<16xf32>
      %add3A_496 = arith.addf %scan3A_273, %get3A_359 : vector<16xf32>
      %add3A_497 = arith.addf %scan3A_274, %get3A_365 : vector<16xf32>
      %add3A_498 = arith.addf %scan3A_275, %get3A_371 : vector<16xf32>
      %add3A_499 = arith.addf %scan3A_276, %get3A_377 : vector<16xf32>
      %add3A_500 = arith.addf %scan3A_277, %get3A_383 : vector<16xf32>
      %add3A_501 = arith.addf %scan3A_278, %get3A_389 : vector<16xf32>
      %add3A_502 = arith.addf %scan3A_279, %get3A_395 : vector<16xf32>
      %add3A_503 = arith.addf %scan3A_280, %get3A_401 : vector<16xf32>
      %add3A_504 = arith.addf %scan3A_281, %get3A_407 : vector<16xf32>
      %add3A_505 = arith.addf %scan3A_282, %get3A_413 : vector<16xf32>
      %add3A_506 = arith.addf %scan3A_283, %get3A_419 : vector<16xf32>
      %add3A_507 = arith.addf %scan3A_284, %get3A_425 : vector<16xf32>
      %add3A_508 = arith.addf %scan3A_285, %get3A_431 : vector<16xf32>
      %add3A_509 = arith.addf %scan3A_286, %get3A_437 : vector<16xf32>
      %add3A_510 = arith.addf %scan3A_287, %get3A_443 : vector<16xf32>
      %add3A_511 = arith.addf %scan3A_288, %get3A_449 : vector<16xf32>
      %add3A_512 = arith.addf %scan3A_289, %get3A_455 : vector<16xf32>
      %add3A_513 = arith.addf %scan3A_290, %get3A_461 : vector<16xf32>
      %add3A_514 = arith.addf %scan3A_291, %get3A_467 : vector<16xf32>
      %add3A_515 = arith.addf %scan3A_292, %get3A_473 : vector<16xf32>
      %add3A_516 = arith.addf %scan3A_293, %get3A_479 : vector<16xf32>
      %add3A_517 = arith.addf %scan3A_294, %get3A_485 : vector<16xf32>
      scf.yield %add3A_486, %add3A_487, %add3A_488, %add3A_489, %add3A_490, %add3A_491, %add3A_492, %add3A_493, %add3A_494, %add3A_495, %add3A_496, %add3A_497, %add3A_498, %add3A_499, %add3A_500, %add3A_501, %add3A_502, %add3A_503, %add3A_504, %add3A_505, %add3A_506, %add3A_507, %add3A_508, %add3A_509, %add3A_510, %add3A_511, %add3A_512, %add3A_513, %add3A_514, %add3A_515, %add3A_516, %add3A_517 : vector<16xf32>, vector<16xf32>, vector<16xf32>, vector<16xf32>, vector<16xf32>, vector<16xf32>, vector<16xf32>, vector<16xf32>, vector<16xf32>, vector<16xf32>, vector<16xf32>, vector<16xf32>, vector<16xf32>, vector<16xf32>, vector<16xf32>, vector<16xf32>, vector<16xf32>, vector<16xf32>, vector<16xf32>, vector<16xf32>, vector<16xf32>, vector<16xf32>, vector<16xf32>, vector<16xf32>, vector<16xf32>, vector<16xf32>, vector<16xf32>, vector<16xf32>, vector<16xf32>, vector<16xf32>, vector<16xf32>, vector<16xf32>
    }
    %scan3A_134 = arith.constant 64 : i32
    %swap3A = arith.constant 0 : index
    %swap3A_135 = tpu.vector_load %arg5[%swap3A] {strides = array<i32>} : memref<512xf32, #tpu.memory_space<vmem>>, vector<16xf32>,
    %swap3A_136 = vector.shape_cast %swap3A_135 : vector<16xf32> to vector<16xf32>
    %swap3A_137 = vector.shape_cast %scan3A_133#0 : vector<16xf32> to vector<16xf32>
    tpu.vector_store %arg5[%swap3A], %swap3A_137 {strides = array<i32>} : memref<512xf32, #tpu.memory_space<vmem>>, vector<16xf32>,
    %swap3A_138 = arith.constant 16 : index
    %swap3A_139 = tpu.vector_load %arg5[%swap3A_138] {strides = array<i32>} : memref<512xf32, #tpu.memory_space<vmem>>, vector<16xf32>,
    %swap3A_140 = vector.shape_cast %swap3A_139 : vector<16xf32> to vector<16xf32>
    %swap3A_141 = vector.shape_cast %scan3A_133#1 : vector<16xf32> to vector<16xf32>
    tpu.vector_store %arg5[%swap3A_138], %swap3A_141 {strides = array<i32>} : memref<512xf32, #tpu.memory_space<vmem>>, vector<16xf32>,
    %swap3A_142 = arith.constant 32 : index
    %swap3A_143 = tpu.vector_load %arg5[%swap3A_142] {strides = array<i32>} : memref<512xf32, #tpu.memory_space<vmem>>, vector<16xf32>,
    %swap3A_144 = vector.shape_cast %swap3A_143 : vector<16xf32> to vector<16xf32>
    %swap3A_145 = vector.shape_cast %scan3A_133#2 : vector<16xf32> to vector<16xf32>
    tpu.vector_store %arg5[%swap3A_142], %swap3A_145 {strides = array<i32>} : memref<512xf32, #tpu.memory_space<vmem>>, vector<16xf32>,
    %swap3A_146 = arith.constant 48 : index
    %swap3A_147 = tpu.vector_load %arg5[%swap3A_146] {strides = array<i32>} : memref<512xf32, #tpu.memory_space<vmem>>, vector<16xf32>,
    %swap3A_148 = vector.shape_cast %swap3A_147 : vector<16xf32> to vector<16xf32>
    %swap3A_149 = vector.shape_cast %scan3A_133#3 : vector<16xf32> to vector<16xf32>
    tpu.vector_store %arg5[%swap3A_146], %swap3A_149 {strides = array<i32>} : memref<512xf32, #tpu.memory_space<vmem>>, vector<16xf32>,
    %swap3A_150 = arith.constant 64 : index
    %swap3A_151 = tpu.vector_load %arg5[%swap3A_150] {strides = array<i32>} : memref<512xf32, #tpu.memory_space<vmem>>, vector<16xf32>,
    %swap3A_152 = vector.shape_cast %swap3A_151 : vector<16xf32> to vector<16xf32>
    %swap3A_153 = vector.shape_cast %scan3A_133#4 : vector<16xf32> to vector<16xf32>
    tpu.vector_store %arg5[%swap3A_150], %swap3A_153 {strides = array<i32>} : memref<512xf32, #tpu.memory_space<vmem>>, vector<16xf32>,
    %swap3A_154 = arith.constant 80 : index
    %swap3A_155 = tpu.vector_load %arg5[%swap3A_154] {strides = array<i32>} : memref<512xf32, #tpu.memory_space<vmem>>, vector<16xf32>,
    %swap3A_156 = vector.shape_cast %swap3A_155 : vector<16xf32> to vector<16xf32>
    %swap3A_157 = vector.shape_cast %scan3A_133#5 : vector<16xf32> to vector<16xf32>
    tpu.vector_store %arg5[%swap3A_154], %swap3A_157 {strides = array<i32>} : memref<512xf32, #tpu.memory_space<vmem>>, vector<16xf32>,
    %swap3A_158 = arith.constant 96 : index
    %swap3A_159 = tpu.vector_load %arg5[%swap3A_158] {strides = array<i32>} : memref<512xf32, #tpu.memory_space<vmem>>, vector<16xf32>,
    %swap3A_160 = vector.shape_cast %swap3A_159 : vector<16xf32> to vector<16xf32>
    %swap3A_161 = vector.shape_cast %scan3A_133#6 : vector<16xf32> to vector<16xf32>
    tpu.vector_store %arg5[%swap3A_158], %swap3A_161 {strides = array<i32>} : memref<512xf32, #tpu.memory_space<vmem>>, vector<16xf32>,
    %swap3A_162 = arith.constant 112 : index
    %swap3A_163 = tpu.vector_load %arg5[%swap3A_162] {strides = array<i32>} : memref<512xf32, #tpu.memory_space<vmem>>, vector<16xf32>,
    %swap3A_164 = vector.shape_cast %swap3A_163 : vector<16xf32> to vector<16xf32>
    %swap3A_165 = vector.shape_cast %scan3A_133#7 : vector<16xf32> to vector<16xf32>
    tpu.vector_store %arg5[%swap3A_162], %swap3A_165 {strides = array<i32>} : memref<512xf32, #tpu.memory_space<vmem>>, vector<16xf32>,
    %swap3A_166 = arith.constant 128 : index
    %swap3A_167 = tpu.vector_load %arg5[%swap3A_166] {strides = array<i32>} : memref<512xf32, #tpu.memory_space<vmem>>, vector<16xf32>,
    %swap3A_168 = vector.shape_cast %swap3A_167 : vector<16xf32> to vector<16xf32>
    %swap3A_169 = vector.shape_cast %scan3A_133#8 : vector<16xf32> to vector<16xf32>
    tpu.vector_store %arg5[%swap3A_166], %swap3A_169 {strides = array<i32>} : memref<512xf32, #tpu.memory_space<vmem>>, vector<16xf32>,
    %swap3A_170 = arith.constant 144 : index
    %swap3A_171 = tpu.vector_load %arg5[%swap3A_170] {strides = array<i32>} : memref<512xf32, #tpu.memory_space<vmem>>, vector<16xf32>,
    %swap3A_172 = vector.shape_cast %swap3A_171 : vector<16xf32> to vector<16xf32>
    %swap3A_173 = vector.shape_cast %scan3A_133#9 : vector<16xf32> to vector<16xf32>
    tpu.vector_store %arg5[%swap3A_170], %swap3A_173 {strides = array<i32>} : memref<512xf32, #tpu.memory_space<vmem>>, vector<16xf32>,
    %swap3A_174 = arith.constant 160 : index
    %swap3A_175 = tpu.vector_load %arg5[%swap3A_174] {strides = array<i32>} : memref<512xf32, #tpu.memory_space<vmem>>, vector<16xf32>,
    %swap3A_176 = vector.shape_cast %swap3A_175 : vector<16xf32> to vector<16xf32>
    %swap3A_177 = vector.shape_cast %scan3A_133#10 : vector<16xf32> to vector<16xf32>
    tpu.vector_store %arg5[%swap3A_174], %swap3A_177 {strides = array<i32>} : memref<512xf32, #tpu.memory_space<vmem>>, vector<16xf32>,
    %swap3A_178 = arith.constant 176 : index
    %swap3A_179 = tpu.vector_load %arg5[%swap3A_178] {strides = array<i32>} : memref<512xf32, #tpu.memory_space<vmem>>, vector<16xf32>,
    %swap3A_180 = vector.shape_cast %swap3A_179 : vector<16xf32> to vector<16xf32>
    %swap3A_181 = vector.shape_cast %scan3A_133#11 : vector<16xf32> to vector<16xf32>
    tpu.vector_store %arg5[%swap3A_178], %swap3A_181 {strides = array<i32>} : memref<512xf32, #tpu.memory_space<vmem>>, vector<16xf32>,
    %swap3A_182 = arith.constant 192 : index
    %swap3A_183 = tpu.vector_load %arg5[%swap3A_182] {strides = array<i32>} : memref<512xf32, #tpu.memory_space<vmem>>, vector<16xf32>,
    %swap3A_184 = vector.shape_cast %swap3A_183 : vector<16xf32> to vector<16xf32>
    %swap3A_185 = vector.shape_cast %scan3A_133#12 : vector<16xf32> to vector<16xf32>
    tpu.vector_store %arg5[%swap3A_182], %swap3A_185 {strides = array<i32>} : memref<512xf32, #tpu.memory_space<vmem>>, vector<16xf32>,
    %swap3A_186 = arith.constant 208 : index
    %swap3A_187 = tpu.vector_load %arg5[%swap3A_186] {strides = array<i32>} : memref<512xf32, #tpu.memory_space<vmem>>, vector<16xf32>,
    %swap3A_188 = vector.shape_cast %swap3A_187 : vector<16xf32> to vector<16xf32>
    %swap3A_189 = vector.shape_cast %scan3A_133#13 : vector<16xf32> to vector<16xf32>
    tpu.vector_store %arg5[%swap3A_186], %swap3A_189 {strides = array<i32>} : memref<512xf32, #tpu.memory_space<vmem>>, vector<16xf32>,
    %swap3A_190 = arith.constant 224 : index
    %swap3A_191 = tpu.vector_load %arg5[%swap3A_190] {strides = array<i32>} : memref<512xf32, #tpu.memory_space<vmem>>, vector<16xf32>,
    %swap3A_192 = vector.shape_cast %swap3A_191 : vector<16xf32> to vector<16xf32>
    %swap3A_193 = vector.shape_cast %scan3A_133#14 : vector<16xf32> to vector<16xf32>
    tpu.vector_store %arg5[%swap3A_190], %swap3A_193 {strides = array<i32>} : memref<512xf32, #tpu.memory_space<vmem>>, vector<16xf32>,
    %swap3A_194 = arith.constant 240 : index
    %swap3A_195 = tpu.vector_load %arg5[%swap3A_194] {strides = array<i32>} : memref<512xf32, #tpu.memory_space<vmem>>, vector<16xf32>,
    %swap3A_196 = vector.shape_cast %swap3A_195 : vector<16xf32> to vector<16xf32>
    %swap3A_197 = vector.shape_cast %scan3A_133#15 : vector<16xf32> to vector<16xf32>
    tpu.vector_store %arg5[%swap3A_194], %swap3A_197 {strides = array<i32>} : memref<512xf32, #tpu.memory_space<vmem>>, vector<16xf32>,
    %swap3A_198 = arith.constant 256 : index
    %swap3A_199 = tpu.vector_load %arg5[%swap3A_198] {strides = array<i32>} : memref<512xf32, #tpu.memory_space<vmem>>, vector<16xf32>,
    %swap3A_200 = vector.shape_cast %swap3A_199 : vector<16xf32> to vector<16xf32>
    %swap3A_201 = vector.shape_cast %scan3A_133#16 : vector<16xf32> to vector<16xf32>
    tpu.vector_store %arg5[%swap3A_198], %swap3A_201 {strides = array<i32>} : memref<512xf32, #tpu.memory_space<vmem>>, vector<16xf32>,
    %swap3A_202 = arith.constant 272 : index
    %swap3A_203 = tpu.vector_load %arg5[%swap3A_202] {strides = array<i32>} : memref<512xf32, #tpu.memory_space<vmem>>, vector<16xf32>,
    %swap3A_204 = vector.shape_cast %swap3A_203 : vector<16xf32> to vector<16xf32>
    %swap3A_205 = vector.shape_cast %scan3A_133#17 : vector<16xf32> to vector<16xf32>
    tpu.vector_store %arg5[%swap3A_202], %swap3A_205 {strides = array<i32>} : memref<512xf32, #tpu.memory_space<vmem>>, vector<16xf32>,
    %swap3A_206 = arith.constant 288 : index
    %swap3A_207 = tpu.vector_load %arg5[%swap3A_206] {strides = array<i32>} : memref<512xf32, #tpu.memory_space<vmem>>, vector<16xf32>,
    %swap3A_208 = vector.shape_cast %swap3A_207 : vector<16xf32> to vector<16xf32>
    %swap3A_209 = vector.shape_cast %scan3A_133#18 : vector<16xf32> to vector<16xf32>
    tpu.vector_store %arg5[%swap3A_206], %swap3A_209 {strides = array<i32>} : memref<512xf32, #tpu.memory_space<vmem>>, vector<16xf32>,
    %swap3A_210 = arith.constant 304 : index
    %swap3A_211 = tpu.vector_load %arg5[%swap3A_210] {strides = array<i32>} : memref<512xf32, #tpu.memory_space<vmem>>, vector<16xf32>,
    %swap3A_212 = vector.shape_cast %swap3A_211 : vector<16xf32> to vector<16xf32>
    %swap3A_213 = vector.shape_cast %scan3A_133#19 : vector<16xf32> to vector<16xf32>
    tpu.vector_store %arg5[%swap3A_210], %swap3A_213 {strides = array<i32>} : memref<512xf32, #tpu.memory_space<vmem>>, vector<16xf32>,
    %swap3A_214 = arith.constant 320 : index
    %swap3A_215 = tpu.vector_load %arg5[%swap3A_214] {strides = array<i32>} : memref<512xf32, #tpu.memory_space<vmem>>, vector<16xf32>,
    %swap3A_216 = vector.shape_cast %swap3A_215 : vector<16xf32> to vector<16xf32>
    %swap3A_217 = vector.shape_cast %scan3A_133#20 : vector<16xf32> to vector<16xf32>
    tpu.vector_store %arg5[%swap3A_214], %swap3A_217 {strides = array<i32>} : memref<512xf32, #tpu.memory_space<vmem>>, vector<16xf32>,
    %swap3A_218 = arith.constant 336 : index
    %swap3A_219 = tpu.vector_load %arg5[%swap3A_218] {strides = array<i32>} : memref<512xf32, #tpu.memory_space<vmem>>, vector<16xf32>,
    %swap3A_220 = vector.shape_cast %swap3A_219 : vector<16xf32> to vector<16xf32>
    %swap3A_221 = vector.shape_cast %scan3A_133#21 : vector<16xf32> to vector<16xf32>
    tpu.vector_store %arg5[%swap3A_218], %swap3A_221 {strides = array<i32>} : memref<512xf32, #tpu.memory_space<vmem>>, vector<16xf32>,
    %swap3A_222 = arith.constant 352 : index
    %swap3A_223 = tpu.vector_load %arg5[%swap3A_222] {strides = array<i32>} : memref<512xf32, #tpu.memory_space<vmem>>, vector<16xf32>,
    %swap3A_224 = vector.shape_cast %swap3A_223 : vector<16xf32> to vector<16xf32>
    %swap3A_225 = vector.shape_cast %scan3A_133#22 : vector<16xf32> to vector<16xf32>
    tpu.vector_store %arg5[%swap3A_222], %swap3A_225 {strides = array<i32>} : memref<512xf32, #tpu.memory_space<vmem>>, vector<16xf32>,
    %swap3A_226 = arith.constant 368 : index
    %swap3A_227 = tpu.vector_load %arg5[%swap3A_226] {strides = array<i32>} : memref<512xf32, #tpu.memory_space<vmem>>, vector<16xf32>,
    %swap3A_228 = vector.shape_cast %swap3A_227 : vector<16xf32> to vector<16xf32>
    %swap3A_229 = vector.shape_cast %scan3A_133#23 : vector<16xf32> to vector<16xf32>
    tpu.vector_store %arg5[%swap3A_226], %swap3A_229 {strides = array<i32>} : memref<512xf32, #tpu.memory_space<vmem>>, vector<16xf32>,
    %swap3A_230 = arith.constant 384 : index
    %swap3A_231 = tpu.vector_load %arg5[%swap3A_230] {strides = array<i32>} : memref<512xf32, #tpu.memory_space<vmem>>, vector<16xf32>,
    %swap3A_232 = vector.shape_cast %swap3A_231 : vector<16xf32> to vector<16xf32>
    %swap3A_233 = vector.shape_cast %scan3A_133#24 : vector<16xf32> to vector<16xf32>
    tpu.vector_store %arg5[%swap3A_230], %swap3A_233 {strides = array<i32>} : memref<512xf32, #tpu.memory_space<vmem>>, vector<16xf32>,
    %swap3A_234 = arith.constant 400 : index
    %swap3A_235 = tpu.vector_load %arg5[%swap3A_234] {strides = array<i32>} : memref<512xf32, #tpu.memory_space<vmem>>, vector<16xf32>,
    %swap3A_236 = vector.shape_cast %swap3A_235 : vector<16xf32> to vector<16xf32>
    %swap3A_237 = vector.shape_cast %scan3A_133#25 : vector<16xf32> to vector<16xf32>
    tpu.vector_store %arg5[%swap3A_234], %swap3A_237 {strides = array<i32>} : memref<512xf32, #tpu.memory_space<vmem>>, vector<16xf32>,
    %swap3A_238 = arith.constant 416 : index
    %swap3A_239 = tpu.vector_load %arg5[%swap3A_238] {strides = array<i32>} : memref<512xf32, #tpu.memory_space<vmem>>, vector<16xf32>,
    %swap3A_240 = vector.shape_cast %swap3A_239 : vector<16xf32> to vector<16xf32>
    %swap3A_241 = vector.shape_cast %scan3A_133#26 : vector<16xf32> to vector<16xf32>
    tpu.vector_store %arg5[%swap3A_238], %swap3A_241 {strides = array<i32>} : memref<512xf32, #tpu.memory_space<vmem>>, vector<16xf32>,
    %swap3A_242 = arith.constant 432 : index
    %swap3A_243 = tpu.vector_load %arg5[%swap3A_242] {strides = array<i32>} : memref<512xf32, #tpu.memory_space<vmem>>, vector<16xf32>,
    %swap3A_244 = vector.shape_cast %swap3A_243 : vector<16xf32> to vector<16xf32>
    %swap3A_245 = vector.shape_cast %scan3A_133#27 : vector<16xf32> to vector<16xf32>
    tpu.vector_store %arg5[%swap3A_242], %swap3A_245 {strides = array<i32>} : memref<512xf32, #tpu.memory_space<vmem>>, vector<16xf32>,
    %swap3A_246 = arith.constant 448 : index
    %swap3A_247 = tpu.vector_load %arg5[%swap3A_246] {strides = array<i32>} : memref<512xf32, #tpu.memory_space<vmem>>, vector<16xf32>,
    %swap3A_248 = vector.shape_cast %swap3A_247 : vector<16xf32> to vector<16xf32>
    %swap3A_249 = vector.shape_cast %scan3A_133#28 : vector<16xf32> to vector<16xf32>
    tpu.vector_store %arg5[%swap3A_246], %swap3A_249 {strides = array<i32>} : memref<512xf32, #tpu.memory_space<vmem>>, vector<16xf32>,
    %swap3A_250 = arith.constant 464 : index
    %swap3A_251 = tpu.vector_load %arg5[%swap3A_250] {strides = array<i32>} : memref<512xf32, #tpu.memory_space<vmem>>, vector<16xf32>,
    %swap3A_252 = vector.shape_cast %swap3A_251 : vector<16xf32> to vector<16xf32>
    %swap3A_253 = vector.shape_cast %scan3A_133#29 : vector<16xf32> to vector<16xf32>
    tpu.vector_store %arg5[%swap3A_250], %swap3A_253 {strides = array<i32>} : memref<512xf32, #tpu.memory_space<vmem>>, vector<16xf32>,
    %swap3A_254 = arith.constant 480 : index
    %swap3A_255 = tpu.vector_load %arg5[%swap3A_254] {strides = array<i32>} : memref<512xf32, #tpu.memory_space<vmem>>, vector<16xf32>,
    %swap3A_256 = vector.shape_cast %swap3A_255 : vector<16xf32> to vector<16xf32>
    %swap3A_257 = vector.shape_cast %scan3A_133#30 : vector<16xf32> to vector<16xf32>
    tpu.vector_store %arg5[%swap3A_254], %swap3A_257 {strides = array<i32>} : memref<512xf32, #tpu.memory_space<vmem>>, vector<16xf32>,
    %swap3A_258 = arith.constant 496 : index
    %swap3A_259 = tpu.vector_load %arg5[%swap3A_258] {strides = array<i32>} : memref<512xf32, #tpu.memory_space<vmem>>, vector<16xf32>,
    %swap3A_260 = vector.shape_cast %swap3A_259 : vector<16xf32> to vector<16xf32>
    %swap3A_261 = vector.shape_cast %scan3A_133#31 : vector<16xf32> to vector<16xf32>
    tpu.vector_store %arg5[%swap3A_258], %swap3A_261 {strides = array<i32>} : memref<512xf32, #tpu.memory_space<vmem>>, vector<16xf32>,
    "tpu.region"() ({
      %run_scoped3A = tpu.sem_alloc : memref<!tpu.dma_semaphore, #tpu.memory_space<semaphore_mem>>
      %dma_start3A_262 = tpu.memref_slice %arg3[%select_n3A, %mul3A_32] : memref<16x1024xf32, #tpu.memory_space<hbm>> -> memref<1x512xf32, #tpu.memory_space<hbm>>
      %dma_start3A_263 = tpu.memref_squeeze %dma_start3A_262 : memref<1x512xf32, #tpu.memory_space<hbm>> -> memref<512xf32, #tpu.memory_space<hbm>>
      %dma_start3A_264 = tpu.memref_slice %arg3[%select_n3A, %mul3A_32] : memref<16x1024xf32, #tpu.memory_space<hbm>> -> memref<1x512xf32, #tpu.memory_space<hbm>>
      %dma_start3A_265 = tpu.memref_squeeze %dma_start3A_264 : memref<1x512xf32, #tpu.memory_space<hbm>> -> memref<512xf32, #tpu.memory_space<hbm>>
      tpu.enqueue_dma source(%arg5 : memref<512xf32, #tpu.memory_space<vmem>>) target(%dma_start3A_265 : memref<512xf32, #tpu.memory_space<hbm>>) target_semaphore(%run_scoped3A : memref<!tpu.dma_semaphore, #tpu.memory_space<semaphore_mem>>)
      %dma_wait3A_266 = tpu.memref_slice %arg3[%select_n3A, %mul3A_32] : memref<16x1024xf32, #tpu.memory_space<hbm>> -> memref<1x512xf32, #tpu.memory_space<hbm>>
      %dma_wait3A_267 = tpu.memref_squeeze %dma_wait3A_266 : memref<1x512xf32, #tpu.memory_space<hbm>> -> memref<512xf32, #tpu.memory_space<hbm>>
      %dma_wait3A_268 = tpu.memref_slice %arg3[%select_n3A, %mul3A_32] : memref<16x1024xf32, #tpu.memory_space<hbm>> -> memref<1x512xf32, #tpu.memory_space<hbm>>
      %dma_wait3A_269 = tpu.memref_squeeze %dma_wait3A_268 : memref<1x512xf32, #tpu.memory_space<hbm>> -> memref<512xf32, #tpu.memory_space<hbm>>
      tpu.wait_dma2 semaphore(%run_scoped3A : memref<!tpu.dma_semaphore, #tpu.memory_space<semaphore_mem>>) src(%arg5 : memref<512xf32, #tpu.memory_space<vmem>>) dst(%dma_wait3A_269 : memref<512xf32, #tpu.memory_space<hbm>>)
      tpu.yield
    }) : () -> ()
    return
  }
}

module attributes {stable_mosaic.version = 14 : i64} {
  func.func @_tc_body(%arg0: memref<16x2048x1024xf32, #tpu.memory_space<hbm>>, %arg1: memref<16x1024xf32, #tpu.memory_space<vmem>>, %arg2: memref<16x64x1024xf32, #tpu.memory_space<vmem>>, %arg3: memref<16x!tpu.dma_semaphore, #tpu.memory_space<semaphore_mem>>) attributes {dimension_semantics = [], scalar_prefetch = 0 : i64, scratch_operands = 2 : i64, tpu.core_type = #tpu.core_type<tc>} {
    %broadcast_in_dim3A = arith.constant 0.000000e+00 : f32
    %broadcast_in_dim3A_0 = vector.broadcast %broadcast_in_dim3A : f32 to vector<16x1024xf32>
    %swap3A = arith.constant 0 : index
    %swap3A_1 = arith.constant 0 : index
    %swap3A_2 = vector.load %arg1[%swap3A, %swap3A_1] : memref<16x1024xf32, #tpu.memory_space<vmem>>, vector<16x1024xf32>
    tpu.vector_store %arg1[%swap3A, %swap3A_1], %broadcast_in_dim3A_0 {strides = array<i32>} : memref<16x1024xf32, #tpu.memory_space<vmem>>, vector<16x1024xf32>,
    %dma_start3A = arith.constant 0 : i32
    %dma_start3A_3 = arith.constant 0 : i32
    %dma_start3A_4 = arith.constant 0 : i32
    %dma_start3A_5 = tpu.memref_slice %arg3[%dma_start3A_4] : memref<16x!tpu.dma_semaphore, #tpu.memory_space<semaphore_mem>> -> memref<1x!tpu.dma_semaphore, #tpu.memory_space<semaphore_mem>>
    %dma_start3A_6 = tpu.memref_squeeze %dma_start3A_5 : memref<1x!tpu.dma_semaphore, #tpu.memory_space<semaphore_mem>> -> memref<!tpu.dma_semaphore, #tpu.memory_space<semaphore_mem>>
    %dma_start3A_7 = arith.constant 0 : i32
    %dma_start3A_8 = arith.constant 0 : i32
    %dma_start3A_9 = tpu.memref_slice %arg2[%dma_start3A_3, %dma_start3A_7, %dma_start3A_8] : memref<16x64x1024xf32, #tpu.memory_space<vmem>> -> memref<1x64x1024xf32, #tpu.memory_space<vmem>>
    %dma_start3A_10 = tpu.memref_squeeze %dma_start3A_9 : memref<1x64x1024xf32, #tpu.memory_space<vmem>> -> memref<64x1024xf32, #tpu.memory_space<vmem>>
    %dma_start3A_11 = arith.constant 0 : i32
    %dma_start3A_12 = arith.constant 0 : i32
    %dma_start3A_13 = tpu.memref_slice %arg0[%dma_start3A, %dma_start3A_11, %dma_start3A_12] : memref<16x2048x1024xf32, #tpu.memory_space<hbm>> -> memref<1x64x1024xf32, #tpu.memory_space<hbm>>
    %dma_start3A_14 = tpu.memref_squeeze %dma_start3A_13 : memref<1x64x1024xf32, #tpu.memory_space<hbm>> -> memref<64x1024xf32, #tpu.memory_space<hbm>>
    tpu.enqueue_dma source(%dma_start3A_14 : memref<64x1024xf32, #tpu.memory_space<hbm>>) target(%dma_start3A_10 : memref<64x1024xf32, #tpu.memory_space<vmem>>) target_semaphore(%dma_start3A_6 : memref<!tpu.dma_semaphore, #tpu.memory_space<semaphore_mem>>)
    %dma_start3A_15 = arith.constant 0 : i32
    %dma_start3A_16 = arith.constant 1 : i32
    %dma_start3A_17 = arith.constant 1 : i32
    %dma_start3A_18 = tpu.memref_slice %arg3[%dma_start3A_17] : memref<16x!tpu.dma_semaphore, #tpu.memory_space<semaphore_mem>> -> memref<1x!tpu.dma_semaphore, #tpu.memory_space<semaphore_mem>>
    %dma_start3A_19 = tpu.memref_squeeze %dma_start3A_18 : memref<1x!tpu.dma_semaphore, #tpu.memory_space<semaphore_mem>> -> memref<!tpu.dma_semaphore, #tpu.memory_space<semaphore_mem>>
    %dma_start3A_20 = arith.constant 0 : i32
    %dma_start3A_21 = arith.constant 0 : i32
    %dma_start3A_22 = tpu.memref_slice %arg2[%dma_start3A_16, %dma_start3A_20, %dma_start3A_21] : memref<16x64x1024xf32, #tpu.memory_space<vmem>> -> memref<1x64x1024xf32, #tpu.memory_space<vmem>>
    %dma_start3A_23 = tpu.memref_squeeze %dma_start3A_22 : memref<1x64x1024xf32, #tpu.memory_space<vmem>> -> memref<64x1024xf32, #tpu.memory_space<vmem>>
    %dma_start3A_24 = arith.constant 64 : i32
    %dma_start3A_25 = arith.constant 0 : i32
    %dma_start3A_26 = tpu.memref_slice %arg0[%dma_start3A_15, %dma_start3A_24, %dma_start3A_25] : memref<16x2048x1024xf32, #tpu.memory_space<hbm>> -> memref<1x64x1024xf32, #tpu.memory_space<hbm>>
    %dma_start3A_27 = tpu.memref_squeeze %dma_start3A_26 : memref<1x64x1024xf32, #tpu.memory_space<hbm>> -> memref<64x1024xf32, #tpu.memory_space<hbm>>
    tpu.enqueue_dma source(%dma_start3A_27 : memref<64x1024xf32, #tpu.memory_space<hbm>>) target(%dma_start3A_23 : memref<64x1024xf32, #tpu.memory_space<vmem>>) target_semaphore(%dma_start3A_19 : memref<!tpu.dma_semaphore, #tpu.memory_space<semaphore_mem>>)
    %dma_start3A_28 = arith.constant 0 : i32
    %dma_start3A_29 = arith.constant 2 : i32
    %dma_start3A_30 = arith.constant 2 : i32
    %dma_start3A_31 = tpu.memref_slice %arg3[%dma_start3A_30] : memref<16x!tpu.dma_semaphore, #tpu.memory_space<semaphore_mem>> -> memref<1x!tpu.dma_semaphore, #tpu.memory_space<semaphore_mem>>
    %dma_start3A_32 = tpu.memref_squeeze %dma_start3A_31 : memref<1x!tpu.dma_semaphore, #tpu.memory_space<semaphore_mem>> -> memref<!tpu.dma_semaphore, #tpu.memory_space<semaphore_mem>>
    %dma_start3A_33 = arith.constant 0 : i32
    %dma_start3A_34 = arith.constant 0 : i32
    %dma_start3A_35 = tpu.memref_slice %arg2[%dma_start3A_29, %dma_start3A_33, %dma_start3A_34] : memref<16x64x1024xf32, #tpu.memory_space<vmem>> -> memref<1x64x1024xf32, #tpu.memory_space<vmem>>
    %dma_start3A_36 = tpu.memref_squeeze %dma_start3A_35 : memref<1x64x1024xf32, #tpu.memory_space<vmem>> -> memref<64x1024xf32, #tpu.memory_space<vmem>>
    %dma_start3A_37 = arith.constant 128 : i32
    %dma_start3A_38 = arith.constant 0 : i32
    %dma_start3A_39 = tpu.memref_slice %arg0[%dma_start3A_28, %dma_start3A_37, %dma_start3A_38] : memref<16x2048x1024xf32, #tpu.memory_space<hbm>> -> memref<1x64x1024xf32, #tpu.memory_space<hbm>>
    %dma_start3A_40 = tpu.memref_squeeze %dma_start3A_39 : memref<1x64x1024xf32, #tpu.memory_space<hbm>> -> memref<64x1024xf32, #tpu.memory_space<hbm>>
    tpu.enqueue_dma source(%dma_start3A_40 : memref<64x1024xf32, #tpu.memory_space<hbm>>) target(%dma_start3A_36 : memref<64x1024xf32, #tpu.memory_space<vmem>>) target_semaphore(%dma_start3A_32 : memref<!tpu.dma_semaphore, #tpu.memory_space<semaphore_mem>>)
    %dma_start3A_41 = arith.constant 0 : i32
    %dma_start3A_42 = arith.constant 3 : i32
    %dma_start3A_43 = arith.constant 3 : i32
    %dma_start3A_44 = tpu.memref_slice %arg3[%dma_start3A_43] : memref<16x!tpu.dma_semaphore, #tpu.memory_space<semaphore_mem>> -> memref<1x!tpu.dma_semaphore, #tpu.memory_space<semaphore_mem>>
    %dma_start3A_45 = tpu.memref_squeeze %dma_start3A_44 : memref<1x!tpu.dma_semaphore, #tpu.memory_space<semaphore_mem>> -> memref<!tpu.dma_semaphore, #tpu.memory_space<semaphore_mem>>
    %dma_start3A_46 = arith.constant 0 : i32
    %dma_start3A_47 = arith.constant 0 : i32
    %dma_start3A_48 = tpu.memref_slice %arg2[%dma_start3A_42, %dma_start3A_46, %dma_start3A_47] : memref<16x64x1024xf32, #tpu.memory_space<vmem>> -> memref<1x64x1024xf32, #tpu.memory_space<vmem>>
    %dma_start3A_49 = tpu.memref_squeeze %dma_start3A_48 : memref<1x64x1024xf32, #tpu.memory_space<vmem>> -> memref<64x1024xf32, #tpu.memory_space<vmem>>
    %dma_start3A_50 = arith.constant 192 : i32
    %dma_start3A_51 = arith.constant 0 : i32
    %dma_start3A_52 = tpu.memref_slice %arg0[%dma_start3A_41, %dma_start3A_50, %dma_start3A_51] : memref<16x2048x1024xf32, #tpu.memory_space<hbm>> -> memref<1x64x1024xf32, #tpu.memory_space<hbm>>
    %dma_start3A_53 = tpu.memref_squeeze %dma_start3A_52 : memref<1x64x1024xf32, #tpu.memory_space<hbm>> -> memref<64x1024xf32, #tpu.memory_space<hbm>>
    tpu.enqueue_dma source(%dma_start3A_53 : memref<64x1024xf32, #tpu.memory_space<hbm>>) target(%dma_start3A_49 : memref<64x1024xf32, #tpu.memory_space<vmem>>) target_semaphore(%dma_start3A_45 : memref<!tpu.dma_semaphore, #tpu.memory_space<semaphore_mem>>)
    %dma_start3A_54 = arith.constant 0 : i32
    %dma_start3A_55 = arith.constant 4 : i32
    %dma_start3A_56 = arith.constant 4 : i32
    %dma_start3A_57 = tpu.memref_slice %arg3[%dma_start3A_56] : memref<16x!tpu.dma_semaphore, #tpu.memory_space<semaphore_mem>> -> memref<1x!tpu.dma_semaphore, #tpu.memory_space<semaphore_mem>>
    %dma_start3A_58 = tpu.memref_squeeze %dma_start3A_57 : memref<1x!tpu.dma_semaphore, #tpu.memory_space<semaphore_mem>> -> memref<!tpu.dma_semaphore, #tpu.memory_space<semaphore_mem>>
    %dma_start3A_59 = arith.constant 0 : i32
    %dma_start3A_60 = arith.constant 0 : i32
    %dma_start3A_61 = tpu.memref_slice %arg2[%dma_start3A_55, %dma_start3A_59, %dma_start3A_60] : memref<16x64x1024xf32, #tpu.memory_space<vmem>> -> memref<1x64x1024xf32, #tpu.memory_space<vmem>>
    %dma_start3A_62 = tpu.memref_squeeze %dma_start3A_61 : memref<1x64x1024xf32, #tpu.memory_space<vmem>> -> memref<64x1024xf32, #tpu.memory_space<vmem>>
    %dma_start3A_63 = arith.constant 256 : i32
    %dma_start3A_64 = arith.constant 0 : i32
    %dma_start3A_65 = tpu.memref_slice %arg0[%dma_start3A_54, %dma_start3A_63, %dma_start3A_64] : memref<16x2048x1024xf32, #tpu.memory_space<hbm>> -> memref<1x64x1024xf32, #tpu.memory_space<hbm>>
    %dma_start3A_66 = tpu.memref_squeeze %dma_start3A_65 : memref<1x64x1024xf32, #tpu.memory_space<hbm>> -> memref<64x1024xf32, #tpu.memory_space<hbm>>
    tpu.enqueue_dma source(%dma_start3A_66 : memref<64x1024xf32, #tpu.memory_space<hbm>>) target(%dma_start3A_62 : memref<64x1024xf32, #tpu.memory_space<vmem>>) target_semaphore(%dma_start3A_58 : memref<!tpu.dma_semaphore, #tpu.memory_space<semaphore_mem>>)
    %dma_start3A_67 = arith.constant 0 : i32
    %dma_start3A_68 = arith.constant 5 : i32
    %dma_start3A_69 = arith.constant 5 : i32
    %dma_start3A_70 = tpu.memref_slice %arg3[%dma_start3A_69] : memref<16x!tpu.dma_semaphore, #tpu.memory_space<semaphore_mem>> -> memref<1x!tpu.dma_semaphore, #tpu.memory_space<semaphore_mem>>
    %dma_start3A_71 = tpu.memref_squeeze %dma_start3A_70 : memref<1x!tpu.dma_semaphore, #tpu.memory_space<semaphore_mem>> -> memref<!tpu.dma_semaphore, #tpu.memory_space<semaphore_mem>>
    %dma_start3A_72 = arith.constant 0 : i32
    %dma_start3A_73 = arith.constant 0 : i32
    %dma_start3A_74 = tpu.memref_slice %arg2[%dma_start3A_68, %dma_start3A_72, %dma_start3A_73] : memref<16x64x1024xf32, #tpu.memory_space<vmem>> -> memref<1x64x1024xf32, #tpu.memory_space<vmem>>
    %dma_start3A_75 = tpu.memref_squeeze %dma_start3A_74 : memref<1x64x1024xf32, #tpu.memory_space<vmem>> -> memref<64x1024xf32, #tpu.memory_space<vmem>>
    %dma_start3A_76 = arith.constant 320 : i32
    %dma_start3A_77 = arith.constant 0 : i32
    %dma_start3A_78 = tpu.memref_slice %arg0[%dma_start3A_67, %dma_start3A_76, %dma_start3A_77] : memref<16x2048x1024xf32, #tpu.memory_space<hbm>> -> memref<1x64x1024xf32, #tpu.memory_space<hbm>>
    %dma_start3A_79 = tpu.memref_squeeze %dma_start3A_78 : memref<1x64x1024xf32, #tpu.memory_space<hbm>> -> memref<64x1024xf32, #tpu.memory_space<hbm>>
    tpu.enqueue_dma source(%dma_start3A_79 : memref<64x1024xf32, #tpu.memory_space<hbm>>) target(%dma_start3A_75 : memref<64x1024xf32, #tpu.memory_space<vmem>>) target_semaphore(%dma_start3A_71 : memref<!tpu.dma_semaphore, #tpu.memory_space<semaphore_mem>>)
    %dma_start3A_80 = arith.constant 0 : i32
    %dma_start3A_81 = arith.constant 6 : i32
    %dma_start3A_82 = arith.constant 6 : i32
    %dma_start3A_83 = tpu.memref_slice %arg3[%dma_start3A_82] : memref<16x!tpu.dma_semaphore, #tpu.memory_space<semaphore_mem>> -> memref<1x!tpu.dma_semaphore, #tpu.memory_space<semaphore_mem>>
    %dma_start3A_84 = tpu.memref_squeeze %dma_start3A_83 : memref<1x!tpu.dma_semaphore, #tpu.memory_space<semaphore_mem>> -> memref<!tpu.dma_semaphore, #tpu.memory_space<semaphore_mem>>
    %dma_start3A_85 = arith.constant 0 : i32
    %dma_start3A_86 = arith.constant 0 : i32
    %dma_start3A_87 = tpu.memref_slice %arg2[%dma_start3A_81, %dma_start3A_85, %dma_start3A_86] : memref<16x64x1024xf32, #tpu.memory_space<vmem>> -> memref<1x64x1024xf32, #tpu.memory_space<vmem>>
    %dma_start3A_88 = tpu.memref_squeeze %dma_start3A_87 : memref<1x64x1024xf32, #tpu.memory_space<vmem>> -> memref<64x1024xf32, #tpu.memory_space<vmem>>
    %dma_start3A_89 = arith.constant 384 : i32
    %dma_start3A_90 = arith.constant 0 : i32
    %dma_start3A_91 = tpu.memref_slice %arg0[%dma_start3A_80, %dma_start3A_89, %dma_start3A_90] : memref<16x2048x1024xf32, #tpu.memory_space<hbm>> -> memref<1x64x1024xf32, #tpu.memory_space<hbm>>
    %dma_start3A_92 = tpu.memref_squeeze %dma_start3A_91 : memref<1x64x1024xf32, #tpu.memory_space<hbm>> -> memref<64x1024xf32, #tpu.memory_space<hbm>>
    tpu.enqueue_dma source(%dma_start3A_92 : memref<64x1024xf32, #tpu.memory_space<hbm>>) target(%dma_start3A_88 : memref<64x1024xf32, #tpu.memory_space<vmem>>) target_semaphore(%dma_start3A_84 : memref<!tpu.dma_semaphore, #tpu.memory_space<semaphore_mem>>)
    %dma_start3A_93 = arith.constant 0 : i32
    %dma_start3A_94 = arith.constant 7 : i32
    %dma_start3A_95 = arith.constant 7 : i32
    %dma_start3A_96 = tpu.memref_slice %arg3[%dma_start3A_95] : memref<16x!tpu.dma_semaphore, #tpu.memory_space<semaphore_mem>> -> memref<1x!tpu.dma_semaphore, #tpu.memory_space<semaphore_mem>>
    %dma_start3A_97 = tpu.memref_squeeze %dma_start3A_96 : memref<1x!tpu.dma_semaphore, #tpu.memory_space<semaphore_mem>> -> memref<!tpu.dma_semaphore, #tpu.memory_space<semaphore_mem>>
    %dma_start3A_98 = arith.constant 0 : i32
    %dma_start3A_99 = arith.constant 0 : i32
    %dma_start3A_100 = tpu.memref_slice %arg2[%dma_start3A_94, %dma_start3A_98, %dma_start3A_99] : memref<16x64x1024xf32, #tpu.memory_space<vmem>> -> memref<1x64x1024xf32, #tpu.memory_space<vmem>>
    %dma_start3A_101 = tpu.memref_squeeze %dma_start3A_100 : memref<1x64x1024xf32, #tpu.memory_space<vmem>> -> memref<64x1024xf32, #tpu.memory_space<vmem>>
    %dma_start3A_102 = arith.constant 448 : i32
    %dma_start3A_103 = arith.constant 0 : i32
    %dma_start3A_104 = tpu.memref_slice %arg0[%dma_start3A_93, %dma_start3A_102, %dma_start3A_103] : memref<16x2048x1024xf32, #tpu.memory_space<hbm>> -> memref<1x64x1024xf32, #tpu.memory_space<hbm>>
    %dma_start3A_105 = tpu.memref_squeeze %dma_start3A_104 : memref<1x64x1024xf32, #tpu.memory_space<hbm>> -> memref<64x1024xf32, #tpu.memory_space<hbm>>
    tpu.enqueue_dma source(%dma_start3A_105 : memref<64x1024xf32, #tpu.memory_space<hbm>>) target(%dma_start3A_101 : memref<64x1024xf32, #tpu.memory_space<vmem>>) target_semaphore(%dma_start3A_97 : memref<!tpu.dma_semaphore, #tpu.memory_space<semaphore_mem>>)
    %dma_start3A_106 = arith.constant 0 : i32
    %dma_start3A_107 = arith.constant 8 : i32
    %dma_start3A_108 = arith.constant 8 : i32
    %dma_start3A_109 = tpu.memref_slice %arg3[%dma_start3A_108] : memref<16x!tpu.dma_semaphore, #tpu.memory_space<semaphore_mem>> -> memref<1x!tpu.dma_semaphore, #tpu.memory_space<semaphore_mem>>
    %dma_start3A_110 = tpu.memref_squeeze %dma_start3A_109 : memref<1x!tpu.dma_semaphore, #tpu.memory_space<semaphore_mem>> -> memref<!tpu.dma_semaphore, #tpu.memory_space<semaphore_mem>>
    %dma_start3A_111 = arith.constant 0 : i32
    %dma_start3A_112 = arith.constant 0 : i32
    %dma_start3A_113 = tpu.memref_slice %arg2[%dma_start3A_107, %dma_start3A_111, %dma_start3A_112] : memref<16x64x1024xf32, #tpu.memory_space<vmem>> -> memref<1x64x1024xf32, #tpu.memory_space<vmem>>
    %dma_start3A_114 = tpu.memref_squeeze %dma_start3A_113 : memref<1x64x1024xf32, #tpu.memory_space<vmem>> -> memref<64x1024xf32, #tpu.memory_space<vmem>>
    %dma_start3A_115 = arith.constant 512 : i32
    %dma_start3A_116 = arith.constant 0 : i32
    %dma_start3A_117 = tpu.memref_slice %arg0[%dma_start3A_106, %dma_start3A_115, %dma_start3A_116] : memref<16x2048x1024xf32, #tpu.memory_space<hbm>> -> memref<1x64x1024xf32, #tpu.memory_space<hbm>>
    %dma_start3A_118 = tpu.memref_squeeze %dma_start3A_117 : memref<1x64x1024xf32, #tpu.memory_space<hbm>> -> memref<64x1024xf32, #tpu.memory_space<hbm>>
    tpu.enqueue_dma source(%dma_start3A_118 : memref<64x1024xf32, #tpu.memory_space<hbm>>) target(%dma_start3A_114 : memref<64x1024xf32, #tpu.memory_space<vmem>>) target_semaphore(%dma_start3A_110 : memref<!tpu.dma_semaphore, #tpu.memory_space<semaphore_mem>>)
    %dma_start3A_119 = arith.constant 0 : i32
    %dma_start3A_120 = arith.constant 9 : i32
    %dma_start3A_121 = arith.constant 9 : i32
    %dma_start3A_122 = tpu.memref_slice %arg3[%dma_start3A_121] : memref<16x!tpu.dma_semaphore, #tpu.memory_space<semaphore_mem>> -> memref<1x!tpu.dma_semaphore, #tpu.memory_space<semaphore_mem>>
    %dma_start3A_123 = tpu.memref_squeeze %dma_start3A_122 : memref<1x!tpu.dma_semaphore, #tpu.memory_space<semaphore_mem>> -> memref<!tpu.dma_semaphore, #tpu.memory_space<semaphore_mem>>
    %dma_start3A_124 = arith.constant 0 : i32
    %dma_start3A_125 = arith.constant 0 : i32
    %dma_start3A_126 = tpu.memref_slice %arg2[%dma_start3A_120, %dma_start3A_124, %dma_start3A_125] : memref<16x64x1024xf32, #tpu.memory_space<vmem>> -> memref<1x64x1024xf32, #tpu.memory_space<vmem>>
    %dma_start3A_127 = tpu.memref_squeeze %dma_start3A_126 : memref<1x64x1024xf32, #tpu.memory_space<vmem>> -> memref<64x1024xf32, #tpu.memory_space<vmem>>
    %dma_start3A_128 = arith.constant 576 : i32
    %dma_start3A_129 = arith.constant 0 : i32
    %dma_start3A_130 = tpu.memref_slice %arg0[%dma_start3A_119, %dma_start3A_128, %dma_start3A_129] : memref<16x2048x1024xf32, #tpu.memory_space<hbm>> -> memref<1x64x1024xf32, #tpu.memory_space<hbm>>
    %dma_start3A_131 = tpu.memref_squeeze %dma_start3A_130 : memref<1x64x1024xf32, #tpu.memory_space<hbm>> -> memref<64x1024xf32, #tpu.memory_space<hbm>>
    tpu.enqueue_dma source(%dma_start3A_131 : memref<64x1024xf32, #tpu.memory_space<hbm>>) target(%dma_start3A_127 : memref<64x1024xf32, #tpu.memory_space<vmem>>) target_semaphore(%dma_start3A_123 : memref<!tpu.dma_semaphore, #tpu.memory_space<semaphore_mem>>)
    %dma_start3A_132 = arith.constant 0 : i32
    %dma_start3A_133 = arith.constant 10 : i32
    %dma_start3A_134 = arith.constant 10 : i32
    %dma_start3A_135 = tpu.memref_slice %arg3[%dma_start3A_134] : memref<16x!tpu.dma_semaphore, #tpu.memory_space<semaphore_mem>> -> memref<1x!tpu.dma_semaphore, #tpu.memory_space<semaphore_mem>>
    %dma_start3A_136 = tpu.memref_squeeze %dma_start3A_135 : memref<1x!tpu.dma_semaphore, #tpu.memory_space<semaphore_mem>> -> memref<!tpu.dma_semaphore, #tpu.memory_space<semaphore_mem>>
    %dma_start3A_137 = arith.constant 0 : i32
    %dma_start3A_138 = arith.constant 0 : i32
    %dma_start3A_139 = tpu.memref_slice %arg2[%dma_start3A_133, %dma_start3A_137, %dma_start3A_138] : memref<16x64x1024xf32, #tpu.memory_space<vmem>> -> memref<1x64x1024xf32, #tpu.memory_space<vmem>>
    %dma_start3A_140 = tpu.memref_squeeze %dma_start3A_139 : memref<1x64x1024xf32, #tpu.memory_space<vmem>> -> memref<64x1024xf32, #tpu.memory_space<vmem>>
    %dma_start3A_141 = arith.constant 640 : i32
    %dma_start3A_142 = arith.constant 0 : i32
    %dma_start3A_143 = tpu.memref_slice %arg0[%dma_start3A_132, %dma_start3A_141, %dma_start3A_142] : memref<16x2048x1024xf32, #tpu.memory_space<hbm>> -> memref<1x64x1024xf32, #tpu.memory_space<hbm>>
    %dma_start3A_144 = tpu.memref_squeeze %dma_start3A_143 : memref<1x64x1024xf32, #tpu.memory_space<hbm>> -> memref<64x1024xf32, #tpu.memory_space<hbm>>
    tpu.enqueue_dma source(%dma_start3A_144 : memref<64x1024xf32, #tpu.memory_space<hbm>>) target(%dma_start3A_140 : memref<64x1024xf32, #tpu.memory_space<vmem>>) target_semaphore(%dma_start3A_136 : memref<!tpu.dma_semaphore, #tpu.memory_space<semaphore_mem>>)
    %dma_start3A_145 = arith.constant 0 : i32
    %dma_start3A_146 = arith.constant 11 : i32
    %dma_start3A_147 = arith.constant 11 : i32
    %dma_start3A_148 = tpu.memref_slice %arg3[%dma_start3A_147] : memref<16x!tpu.dma_semaphore, #tpu.memory_space<semaphore_mem>> -> memref<1x!tpu.dma_semaphore, #tpu.memory_space<semaphore_mem>>
    %dma_start3A_149 = tpu.memref_squeeze %dma_start3A_148 : memref<1x!tpu.dma_semaphore, #tpu.memory_space<semaphore_mem>> -> memref<!tpu.dma_semaphore, #tpu.memory_space<semaphore_mem>>
    %dma_start3A_150 = arith.constant 0 : i32
    %dma_start3A_151 = arith.constant 0 : i32
    %dma_start3A_152 = tpu.memref_slice %arg2[%dma_start3A_146, %dma_start3A_150, %dma_start3A_151] : memref<16x64x1024xf32, #tpu.memory_space<vmem>> -> memref<1x64x1024xf32, #tpu.memory_space<vmem>>
    %dma_start3A_153 = tpu.memref_squeeze %dma_start3A_152 : memref<1x64x1024xf32, #tpu.memory_space<vmem>> -> memref<64x1024xf32, #tpu.memory_space<vmem>>
    %dma_start3A_154 = arith.constant 704 : i32
    %dma_start3A_155 = arith.constant 0 : i32
    %dma_start3A_156 = tpu.memref_slice %arg0[%dma_start3A_145, %dma_start3A_154, %dma_start3A_155] : memref<16x2048x1024xf32, #tpu.memory_space<hbm>> -> memref<1x64x1024xf32, #tpu.memory_space<hbm>>
    %dma_start3A_157 = tpu.memref_squeeze %dma_start3A_156 : memref<1x64x1024xf32, #tpu.memory_space<hbm>> -> memref<64x1024xf32, #tpu.memory_space<hbm>>
    tpu.enqueue_dma source(%dma_start3A_157 : memref<64x1024xf32, #tpu.memory_space<hbm>>) target(%dma_start3A_153 : memref<64x1024xf32, #tpu.memory_space<vmem>>) target_semaphore(%dma_start3A_149 : memref<!tpu.dma_semaphore, #tpu.memory_space<semaphore_mem>>)
    %dma_start3A_158 = arith.constant 0 : i32
    %dma_start3A_159 = arith.constant 12 : i32
    %dma_start3A_160 = arith.constant 12 : i32
    %dma_start3A_161 = tpu.memref_slice %arg3[%dma_start3A_160] : memref<16x!tpu.dma_semaphore, #tpu.memory_space<semaphore_mem>> -> memref<1x!tpu.dma_semaphore, #tpu.memory_space<semaphore_mem>>
    %dma_start3A_162 = tpu.memref_squeeze %dma_start3A_161 : memref<1x!tpu.dma_semaphore, #tpu.memory_space<semaphore_mem>> -> memref<!tpu.dma_semaphore, #tpu.memory_space<semaphore_mem>>
    %dma_start3A_163 = arith.constant 0 : i32
    %dma_start3A_164 = arith.constant 0 : i32
    %dma_start3A_165 = tpu.memref_slice %arg2[%dma_start3A_159, %dma_start3A_163, %dma_start3A_164] : memref<16x64x1024xf32, #tpu.memory_space<vmem>> -> memref<1x64x1024xf32, #tpu.memory_space<vmem>>
    %dma_start3A_166 = tpu.memref_squeeze %dma_start3A_165 : memref<1x64x1024xf32, #tpu.memory_space<vmem>> -> memref<64x1024xf32, #tpu.memory_space<vmem>>
    %dma_start3A_167 = arith.constant 768 : i32
    %dma_start3A_168 = arith.constant 0 : i32
    %dma_start3A_169 = tpu.memref_slice %arg0[%dma_start3A_158, %dma_start3A_167, %dma_start3A_168] : memref<16x2048x1024xf32, #tpu.memory_space<hbm>> -> memref<1x64x1024xf32, #tpu.memory_space<hbm>>
    %dma_start3A_170 = tpu.memref_squeeze %dma_start3A_169 : memref<1x64x1024xf32, #tpu.memory_space<hbm>> -> memref<64x1024xf32, #tpu.memory_space<hbm>>
    tpu.enqueue_dma source(%dma_start3A_170 : memref<64x1024xf32, #tpu.memory_space<hbm>>) target(%dma_start3A_166 : memref<64x1024xf32, #tpu.memory_space<vmem>>) target_semaphore(%dma_start3A_162 : memref<!tpu.dma_semaphore, #tpu.memory_space<semaphore_mem>>)
    %dma_start3A_171 = arith.constant 0 : i32
    %dma_start3A_172 = arith.constant 13 : i32
    %dma_start3A_173 = arith.constant 13 : i32
    %dma_start3A_174 = tpu.memref_slice %arg3[%dma_start3A_173] : memref<16x!tpu.dma_semaphore, #tpu.memory_space<semaphore_mem>> -> memref<1x!tpu.dma_semaphore, #tpu.memory_space<semaphore_mem>>
    %dma_start3A_175 = tpu.memref_squeeze %dma_start3A_174 : memref<1x!tpu.dma_semaphore, #tpu.memory_space<semaphore_mem>> -> memref<!tpu.dma_semaphore, #tpu.memory_space<semaphore_mem>>
    %dma_start3A_176 = arith.constant 0 : i32
    %dma_start3A_177 = arith.constant 0 : i32
    %dma_start3A_178 = tpu.memref_slice %arg2[%dma_start3A_172, %dma_start3A_176, %dma_start3A_177] : memref<16x64x1024xf32, #tpu.memory_space<vmem>> -> memref<1x64x1024xf32, #tpu.memory_space<vmem>>
    %dma_start3A_179 = tpu.memref_squeeze %dma_start3A_178 : memref<1x64x1024xf32, #tpu.memory_space<vmem>> -> memref<64x1024xf32, #tpu.memory_space<vmem>>
    %dma_start3A_180 = arith.constant 832 : i32
    %dma_start3A_181 = arith.constant 0 : i32
    %dma_start3A_182 = tpu.memref_slice %arg0[%dma_start3A_171, %dma_start3A_180, %dma_start3A_181] : memref<16x2048x1024xf32, #tpu.memory_space<hbm>> -> memref<1x64x1024xf32, #tpu.memory_space<hbm>>
    %dma_start3A_183 = tpu.memref_squeeze %dma_start3A_182 : memref<1x64x1024xf32, #tpu.memory_space<hbm>> -> memref<64x1024xf32, #tpu.memory_space<hbm>>
    tpu.enqueue_dma source(%dma_start3A_183 : memref<64x1024xf32, #tpu.memory_space<hbm>>) target(%dma_start3A_179 : memref<64x1024xf32, #tpu.memory_space<vmem>>) target_semaphore(%dma_start3A_175 : memref<!tpu.dma_semaphore, #tpu.memory_space<semaphore_mem>>)
    %dma_start3A_184 = arith.constant 0 : i32
    %dma_start3A_185 = arith.constant 14 : i32
    %dma_start3A_186 = arith.constant 14 : i32
    %dma_start3A_187 = tpu.memref_slice %arg3[%dma_start3A_186] : memref<16x!tpu.dma_semaphore, #tpu.memory_space<semaphore_mem>> -> memref<1x!tpu.dma_semaphore, #tpu.memory_space<semaphore_mem>>
    %dma_start3A_188 = tpu.memref_squeeze %dma_start3A_187 : memref<1x!tpu.dma_semaphore, #tpu.memory_space<semaphore_mem>> -> memref<!tpu.dma_semaphore, #tpu.memory_space<semaphore_mem>>
    %dma_start3A_189 = arith.constant 0 : i32
    %dma_start3A_190 = arith.constant 0 : i32
    %dma_start3A_191 = tpu.memref_slice %arg2[%dma_start3A_185, %dma_start3A_189, %dma_start3A_190] : memref<16x64x1024xf32, #tpu.memory_space<vmem>> -> memref<1x64x1024xf32, #tpu.memory_space<vmem>>
    %dma_start3A_192 = tpu.memref_squeeze %dma_start3A_191 : memref<1x64x1024xf32, #tpu.memory_space<vmem>> -> memref<64x1024xf32, #tpu.memory_space<vmem>>
    %dma_start3A_193 = arith.constant 896 : i32
    %dma_start3A_194 = arith.constant 0 : i32
    %dma_start3A_195 = tpu.memref_slice %arg0[%dma_start3A_184, %dma_start3A_193, %dma_start3A_194] : memref<16x2048x1024xf32, #tpu.memory_space<hbm>> -> memref<1x64x1024xf32, #tpu.memory_space<hbm>>
    %dma_start3A_196 = tpu.memref_squeeze %dma_start3A_195 : memref<1x64x1024xf32, #tpu.memory_space<hbm>> -> memref<64x1024xf32, #tpu.memory_space<hbm>>
    tpu.enqueue_dma source(%dma_start3A_196 : memref<64x1024xf32, #tpu.memory_space<hbm>>) target(%dma_start3A_192 : memref<64x1024xf32, #tpu.memory_space<vmem>>) target_semaphore(%dma_start3A_188 : memref<!tpu.dma_semaphore, #tpu.memory_space<semaphore_mem>>)
    %dma_start3A_197 = arith.constant 0 : i32
    %dma_start3A_198 = arith.constant 15 : i32
    %dma_start3A_199 = arith.constant 15 : i32
    %dma_start3A_200 = tpu.memref_slice %arg3[%dma_start3A_199] : memref<16x!tpu.dma_semaphore, #tpu.memory_space<semaphore_mem>> -> memref<1x!tpu.dma_semaphore, #tpu.memory_space<semaphore_mem>>
    %dma_start3A_201 = tpu.memref_squeeze %dma_start3A_200 : memref<1x!tpu.dma_semaphore, #tpu.memory_space<semaphore_mem>> -> memref<!tpu.dma_semaphore, #tpu.memory_space<semaphore_mem>>
    %dma_start3A_202 = arith.constant 0 : i32
    %dma_start3A_203 = arith.constant 0 : i32
    %dma_start3A_204 = tpu.memref_slice %arg2[%dma_start3A_198, %dma_start3A_202, %dma_start3A_203] : memref<16x64x1024xf32, #tpu.memory_space<vmem>> -> memref<1x64x1024xf32, #tpu.memory_space<vmem>>
    %dma_start3A_205 = tpu.memref_squeeze %dma_start3A_204 : memref<1x64x1024xf32, #tpu.memory_space<vmem>> -> memref<64x1024xf32, #tpu.memory_space<vmem>>
    %dma_start3A_206 = arith.constant 960 : i32
    %dma_start3A_207 = arith.constant 0 : i32
    %dma_start3A_208 = tpu.memref_slice %arg0[%dma_start3A_197, %dma_start3A_206, %dma_start3A_207] : memref<16x2048x1024xf32, #tpu.memory_space<hbm>> -> memref<1x64x1024xf32, #tpu.memory_space<hbm>>
    %dma_start3A_209 = tpu.memref_squeeze %dma_start3A_208 : memref<1x64x1024xf32, #tpu.memory_space<hbm>> -> memref<64x1024xf32, #tpu.memory_space<hbm>>
    tpu.enqueue_dma source(%dma_start3A_209 : memref<64x1024xf32, #tpu.memory_space<hbm>>) target(%dma_start3A_205 : memref<64x1024xf32, #tpu.memory_space<vmem>>) target_semaphore(%dma_start3A_201 : memref<!tpu.dma_semaphore, #tpu.memory_space<semaphore_mem>>)
    %scan3A = arith.constant 0 : i32
    %scan3A_210 = arith.constant 304 : i32
    %scan3A_211 = arith.addi %scan3A, %scan3A_210 : i32
    %scan3A_212 = arith.constant 1 : i32
    scf.for %scan3A_214 = %scan3A to %scan3A_211 step %scan3A_212  : i32 {
      %rem3A = arith.constant 16 : i32
      %rem3A_215 = arith.remsi %scan3A_214, %rem3A : i32
      %dma_wait3A = arith.constant 0 : i32
      %dma_wait3A_216 = tpu.memref_slice %arg3[%rem3A_215] : memref<16x!tpu.dma_semaphore, #tpu.memory_space<semaphore_mem>> -> memref<1x!tpu.dma_semaphore, #tpu.memory_space<semaphore_mem>>
      %dma_wait3A_217 = tpu.memref_squeeze %dma_wait3A_216 : memref<1x!tpu.dma_semaphore, #tpu.memory_space<semaphore_mem>> -> memref<!tpu.dma_semaphore, #tpu.memory_space<semaphore_mem>>
      %dma_wait3A_218 = arith.constant 0 : i32
      %dma_wait3A_219 = arith.constant 0 : i32
      %dma_wait3A_220 = tpu.memref_slice %arg2[%rem3A_215, %dma_wait3A_218, %dma_wait3A_219] : memref<16x64x1024xf32, #tpu.memory_space<vmem>> -> memref<1x64x1024xf32, #tpu.memory_space<vmem>>
      %dma_wait3A_221 = tpu.memref_squeeze %dma_wait3A_220 : memref<1x64x1024xf32, #tpu.memory_space<vmem>> -> memref<64x1024xf32, #tpu.memory_space<vmem>>
      %dma_wait3A_222 = arith.constant 0 : i32
      %dma_wait3A_223 = arith.constant 0 : i32
      %dma_wait3A_224 = tpu.memref_slice %arg0[%dma_wait3A, %dma_wait3A_222, %dma_wait3A_223] : memref<16x2048x1024xf32, #tpu.memory_space<hbm>> -> memref<1x64x1024xf32, #tpu.memory_space<hbm>>
      %dma_wait3A_225 = tpu.memref_squeeze %dma_wait3A_224 : memref<1x64x1024xf32, #tpu.memory_space<hbm>> -> memref<64x1024xf32, #tpu.memory_space<hbm>>
      tpu.wait_dma2 semaphore(%dma_wait3A_217 : memref<!tpu.dma_semaphore, #tpu.memory_space<semaphore_mem>>) src(%dma_wait3A_225 : memref<64x1024xf32, #tpu.memory_space<hbm>>) dst(%dma_wait3A_221 : memref<64x1024xf32, #tpu.memory_space<vmem>>)
      %jit3A = arith.constant 19 : i32
      %div3A = arith.divsi %scan3A_214, %jit3A : i32
      %sign3A = arith.constant 0 : i32
      %sign3A_226 = arith.cmpi sgt, %scan3A_214, %sign3A : i32
      %sign3A_227 = arith.extui %sign3A_226 : i1 to i32
      %sign3A_228 = arith.constant 0 : i32
      %sign3A_229 = arith.cmpi slt, %scan3A_214, %sign3A_228 : i32
      %sign3A_230 = arith.extui %sign3A_229 : i1 to i32
      %sign3A_231 = arith.subi %sign3A_227, %sign3A_230 : i32
      %sign3A_232 = arith.constant 0 : i32
      %sign3A_233 = arith.cmpi sgt, %jit3A, %sign3A_232 : i32
      %sign3A_234 = arith.extui %sign3A_233 : i1 to i32
      %sign3A_235 = arith.constant 0 : i32
      %sign3A_236 = arith.cmpi slt, %jit3A, %sign3A_235 : i32
      %sign3A_237 = arith.extui %sign3A_236 : i1 to i32
      %sign3A_238 = arith.subi %sign3A_234, %sign3A_237 : i32
      %ne3A = arith.cmpi ne, %sign3A_231, %sign3A_238 : i32
      %rem3A_239 = arith.remsi %scan3A_214, %jit3A : i32
      %ne3A_240 = arith.constant 0 : i32
      %ne3A_241 = arith.cmpi ne, %rem3A_239, %ne3A_240 : i32
      %and3A = arith.andi %ne3A, %ne3A_241 : i1
      %sub3A = arith.constant 1 : i32
      %sub3A_242 = arith.subi %div3A, %sub3A : i32
      %select_n3A = arith.select %and3A, %sub3A_242, %div3A : i32
      %get3A = arith.index_cast %select_n3A : i32 to index
      %get3A_243 = arith.constant 0 : index
      %get3A_244 = vector.load %arg1[%get3A, %get3A_243] : memref<16x1024xf32, #tpu.memory_space<vmem>>, vector<1x1024xf32>
      %get3A_245 = arith.index_cast %rem3A_215 : i32 to index
      %get3A_246 = arith.constant 0 : index
      %get3A_247 = arith.constant 0 : index
      %get3A_248 = vector.load %arg2[%get3A_245, %get3A_246, %get3A_247] : memref<16x64x1024xf32, #tpu.memory_space<vmem>>, vector<1x64x1024xf32>
      %get3A_249 = vector.shape_cast %get3A_248 : vector<1x64x1024xf32> to vector<64x1024xf32>
      %reduce_sum3A = arith.constant dense<0.000000e+00> : vector<1024xf32>
      %reduce_sum3A_250 = vector.multi_reduction <add>, %get3A_249, %reduce_sum3A [0] : vector<64x1024xf32> to vector<1024xf32>
      %broadcast_in_dim3A_251 = vector.shape_cast %reduce_sum3A_250 : vector<1024xf32> to vector<1x1024xf32>
      %add3A = arith.addf %get3A_244, %broadcast_in_dim3A_251 : vector<1x1024xf32>
      %swap3A_252 = arith.index_cast %select_n3A : i32 to index
      %swap3A_253 = arith.constant 0 : index
      %swap3A_254 = vector.load %arg1[%swap3A_252, %swap3A_253] : memref<16x1024xf32, #tpu.memory_space<vmem>>, vector<1x1024xf32>
      tpu.vector_store %arg1[%swap3A_252, %swap3A_253], %add3A {strides = array<i32>} : memref<16x1024xf32, #tpu.memory_space<vmem>>, vector<1x1024xf32>,
      %add3A_255 = arith.constant 16 : i32
      %add3A_256 = arith.addi %scan3A_214, %add3A_255 : i32
      %lt3A = arith.constant 304 : i32
      %lt3A_257 = arith.cmpi slt, %add3A_256, %lt3A : i32
      %convert_element_type3A = arith.extui %lt3A_257 : i1 to i32
      %cond3A = arith.constant 0 : i32
      %cond3A_258 = arith.cmpi ne, %convert_element_type3A, %cond3A : i32
      scf.if %cond3A_258 {
        %jit3A_259 = arith.constant 19 : i32
        %div3A_260 = arith.divsi %add3A_256, %jit3A_259 : i32
        %sign3A_261 = arith.constant 0 : i32
        %sign3A_262 = arith.cmpi sgt, %add3A_256, %sign3A_261 : i32
        %sign3A_263 = arith.extui %sign3A_262 : i1 to i32
        %sign3A_264 = arith.constant 0 : i32
        %sign3A_265 = arith.cmpi slt, %add3A_256, %sign3A_264 : i32
        %sign3A_266 = arith.extui %sign3A_265 : i1 to i32
        %sign3A_267 = arith.subi %sign3A_263, %sign3A_266 : i32
        %sign3A_268 = arith.constant 0 : i32
        %sign3A_269 = arith.cmpi sgt, %jit3A_259, %sign3A_268 : i32
        %sign3A_270 = arith.extui %sign3A_269 : i1 to i32
        %sign3A_271 = arith.constant 0 : i32
        %sign3A_272 = arith.cmpi slt, %jit3A_259, %sign3A_271 : i32
        %sign3A_273 = arith.extui %sign3A_272 : i1 to i32
        %sign3A_274 = arith.subi %sign3A_270, %sign3A_273 : i32
        %ne3A_275 = arith.cmpi ne, %sign3A_267, %sign3A_274 : i32
        %rem3A_276 = arith.remsi %add3A_256, %jit3A_259 : i32
        %ne3A_277 = arith.constant 0 : i32
        %ne3A_278 = arith.cmpi ne, %rem3A_276, %ne3A_277 : i32
        %and3A_279 = arith.andi %ne3A_275, %ne3A_278 : i1
        %sub3A_280 = arith.constant 1 : i32
        %sub3A_281 = arith.subi %div3A_260, %sub3A_280 : i32
        %select_n3A_282 = arith.select %and3A_279, %sub3A_281, %div3A_260 : i32
        %rem3A_283 = arith.constant 19 : i32
        %rem3A_284 = arith.remsi %add3A_256, %rem3A_283 : i32
        %mul3A = arith.constant 64 : i32
        %mul3A_285 = arith.muli %rem3A_284, %mul3A : i32
        %dma_start3A_286 = tpu.memref_slice %arg3[%rem3A_215] : memref<16x!tpu.dma_semaphore, #tpu.memory_space<semaphore_mem>> -> memref<1x!tpu.dma_semaphore, #tpu.memory_space<semaphore_mem>>
        %dma_start3A_287 = tpu.memref_squeeze %dma_start3A_286 : memref<1x!tpu.dma_semaphore, #tpu.memory_space<semaphore_mem>> -> memref<!tpu.dma_semaphore, #tpu.memory_space<semaphore_mem>>
        %dma_start3A_288 = arith.constant 0 : i32
        %dma_start3A_289 = arith.constant 0 : i32
        %dma_start3A_290 = tpu.memref_slice %arg2[%rem3A_215, %dma_start3A_288, %dma_start3A_289] : memref<16x64x1024xf32, #tpu.memory_space<vmem>> -> memref<1x64x1024xf32, #tpu.memory_space<vmem>>
        %dma_start3A_291 = tpu.memref_squeeze %dma_start3A_290 : memref<1x64x1024xf32, #tpu.memory_space<vmem>> -> memref<64x1024xf32, #tpu.memory_space<vmem>>
        %dma_start3A_292 = arith.constant 0 : i32
        %dma_start3A_293 = tpu.memref_slice %arg0[%select_n3A_282, %mul3A_285, %dma_start3A_292] : memref<16x2048x1024xf32, #tpu.memory_space<hbm>> -> memref<1x64x1024xf32, #tpu.memory_space<hbm>>
        %dma_start3A_294 = tpu.memref_squeeze %dma_start3A_293 : memref<1x64x1024xf32, #tpu.memory_space<hbm>> -> memref<64x1024xf32, #tpu.memory_space<hbm>>
        tpu.enqueue_dma source(%dma_start3A_294 : memref<64x1024xf32, #tpu.memory_space<hbm>>) target(%dma_start3A_291 : memref<64x1024xf32, #tpu.memory_space<vmem>>) target_semaphore(%dma_start3A_287 : memref<!tpu.dma_semaphore, #tpu.memory_space<semaphore_mem>>)
      } else {
      }
    }
    %scan3A_213 = arith.constant 304 : i32
    return
  }
}

</mosaic_0001>

<sc_bundles>
// kernel: kernel.4.cloned.1.call-start
scs
__scs_entry_jumppad:
0x0: {  	(pc) =	sbr.rel $0x88, $3  }
0x1: {  	(tag) =	ssettag $0x0;
	lr =	simm.s32 $0x1  }
0x2: {  	[smem:$0x3FA0] =	sst lr;
	_ =	strace $0xD0000000  }
0x3: {  	_ = 	snop  }
0x4: {  	_ = 	snop  }
0x5: {  	_ = 	snop  }
0x6: {  	_ = 	snop  }
0x7: {  	_ = 	snop  }
__scs_overlays_trampoline_lowered:
0x8: {  	[smem:$0x3FAF] =	sst s0  }
0x9: {  	[smem:$0x3FB0] =	sst s1  }
0xa: {  	[smem:$0x3FB1] =	sst s2  }
0xb: {  	[smem:$0x3FB2] =	sst s3  }
0xc: {  	[smem:$0x3FB3] =	sst s4  }
0xd: {  	[smem:$0x3FB4] =	sst s5  }
0xe: {  	[smem:$0x3FB5] =	sst s6  }
0xf: {  	[smem:$0x3FB6] =	sst s7  }
0x10: {  	[smem:$0x3FB7] =	sst s8  }
0x11: {  	[smem:$0x3FB8] =	sst s9;
	s0 =	simm.s32 @!p0 $0x0  }
0x12: {  	s1 =	sld [smem:$0x3F9E];
	s0 =	simm.s32 @p0 $0x1  }
0x13: {  	[smem:$0x3FB9] =	sst s0;
	s0 =	simm.s32 @!p1 $0x0  }
0x14: {  	s2 =	sld [smem:$0x3F9D];
	s0 =	simm.s32 @p1 $0x1  }
0x15: {  	[smem:$0x3FBA] =	sst s0;
	s0 =	simm.s32 @!p2 $0x0  }
0x16: {  	s3 =	sld [smem:$0x3FDB];
	s0 =	simm.s32 @p2 $0x1  }
0x17: {  	s4 =	simm.s32 $0x1BF5;
	[smem:$0x3FBC] =	sst s0  }
0x18: {  	s0 =	sld [smem:$0x3F9F];
	_ =	swait.ge [sflag:s4], $0x0  }
0x19: {  	s7 =	sld [smem:$0x3FA0]  }
0x1a: {  	s8 =	sadd.s32 $0xFFFFE003, lr  }
0x1b: {  	s9 =	sadd.s32 $0xFFFFFEF7, lr;
	s5 =	simm.s32 $0xFFFFFFFF;
	p2 =	slt.u32 s8, $0xFFFFF086  }
0x1c: {  	p1 =	slt.u32 s9, $0xF7A;
	s5 =	simm.s32 @!p2 $0x0  }
0x1d: {  	s5 =	simm.s32 @p1 $0x1;
	p0 =	seq.s32 s7, s2  }
0x1e: {  	s7 =	smul.u32 @!p0 $0xF7A, s2;
	p2 =	seq.s32 @!p0 s5, $0x0  }
0x1f: {  	s9 =	smul.u32 $0xF7A, s1;
	s8 =	simm.s32 @!p0 $0x1BF5;
	p2 =	por !p2, p0  }
0x20: {  	[sflag:s8] =	ssyncset.s32 @!p0 $0xFFFFF086;
	s6 =	sadd.s32 @!p0 s3, s7;
	s7 =	simm.s32 @!p0 $0x108  }
0x21: {  	s3 =	sadd.s32 s3, s9;
	s6 =	sadd.s32 @!p0 $0x88, s6;
	s7 =	simm.s32 @p2 $0x1082  }
0x22: {  	[simem:s7], [sflag:s8] =	dma.local @!p0 [hbm:s6], $0xF7A  }
0x23: {  	s9 =	sor.u32 $0xD0000000, s2;
	s6 =	simm.s32 $0x108;
	_ =	swait.ge @!p0 [sflag:s8], $0x0  }
0x24: {  	s3 =	sadd.s32 $0x88, s3;
	s6 =	simm.s32 @!p1 $0x1082;
	[sflag:s4] =	ssyncset.s32 $0xFFFFF086  }
0x25: {  	[simem:s6], [sflag:s4] =	dma.local [hbm:s3], $0xF7A  }
0x26: {  	[smem:$0x3FA0] =	sst s1;
	(tag) =	ssettag s2;
	_ =	strace s9  }
0x27: {  	s1 =	sld [smem:$0x3FB0]  }
0x28: {  	s2 =	sld [smem:$0x3FB1]  }
0x29: {  	s4 =	sld [smem:$0x3FB3]  }
0x2a: {  	p0 =	seq.s32 s5, $0x0;
	s5 =	sld [smem:$0x3FB4]  }
0x2b: {  	s6 =	sld [smem:$0x3FB5]  }
0x2c: {  	s7 =	sld [smem:$0x3FB6]  }
0x2d: {  	s3 =	simm.s32 $0x108;
	s8 =	sld [smem:$0x3FB7]  }
0x2e: {  	s3 =	simm.s32 @!p0 $0x1082;
	s9 =	sld [smem:$0x3FB8]  }
0x2f: {  	lr =	sadd.s32 s0, s3;
	s0 =	sld [smem:$0x3FAF]  }
0x30: {  	s3 =	sld [smem:$0x3FB2]  }
0x31: {  	[smem:$0x3FBB] =	sst s10  }
0x32: {  	s10 =	sld [smem:$0x3FB9];
	_ =	sdelay $0x3  }
0x33: {  	p0 =	seq.s32 s10, $0x1;
	s10 =	sld [smem:$0x3FBB];
	_ =	sdelay $0x3  }
0x34: {  	[smem:$0x3FBB] =	sst s10  }
0x35: {  	s10 =	sld [smem:$0x3FBA];
	_ =	sdelay $0x3  }
0x36: {  	p1 =	seq.s32 s10, $0x1;
	s10 =	sld [smem:$0x3FBB];
	_ =	sdelay $0x3  }
0x37: {  	[smem:$0x3FBB] =	sst s10  }
0x38: {  	s10 =	sld [smem:$0x3FBC]  }
0x39: {  	_ = 	snop;
	(pc) =	sbr.ind lr, $3  }
0x3a: {  	_ = 	snop  }
0x3b: {  	_ = 	snop  }
0x3c: {  	p2 =	seq.s32 s10, $0x1;
	s10 =	sld [smem:$0x3FBB]  }
0x3d: {  	_ =	shalt  }
0x3e: {  	_ =	shalt  }
0x3f: {  	_ =	shalt  }
0x40: {  	_ =	shalt  }
0x41: {  	_ =	shalt  }
0x42: {  	_ =	shalt  }
0x43: {  	_ =	shalt  }
0x44: {  	_ =	shalt  }
0x45: {  	_ =	shalt  }
0x46: {  	_ =	shalt  }
0x47: {  	_ =	shalt  }
0x48: {  	_ =	shalt  }
0x49: {  	_ =	shalt  }
0x4a: {  	_ =	shalt  }
0x4b: {  	_ =	shalt  }
0x4c: {  	_ =	shalt  }
0x4d: {  	_ =	shalt  }
0x4e: {  	_ =	shalt  }
0x4f: {  	_ =	shalt  }
0x50: {  	_ =	shalt  }
0x51: {  	_ =	shalt  }
0x52: {  	_ =	shalt  }
0x53: {  	_ =	shalt  }
0x54: {  	_ =	shalt  }
0x55: {  	_ =	shalt  }
0x56: {  	_ =	shalt  }
0x57: {  	_ =	shalt  }
0x58: {  	_ =	shalt  }
0x59: {  	_ =	shalt  }
0x5a: {  	_ =	shalt  }
0x5b: {  	_ =	shalt  }
0x5c: {  	_ =	shalt  }
0x5d: {  	_ =	shalt  }
0x5e: {  	_ =	shalt  }
0x5f: {  	_ =	shalt  }
0x60: {  	_ =	shalt  }
0x61: {  	_ =	shalt  }
0x62: {  	_ =	shalt  }
0x63: {  	_ =	shalt  }
0x64: {  	_ =	shalt  }
0x65: {  	_ =	shalt  }
0x66: {  	_ =	shalt  }
0x67: {  	_ =	shalt  }
0x68: {  	_ =	shalt  }
0x69: {  	_ =	shalt  }
0x6a: {  	_ =	shalt  }
0x6b: {  	_ =	shalt  }
0x6c: {  	_ =	shalt  }
0x6d: {  	_ =	shalt  }
0x6e: {  	_ =	shalt  }
0x6f: {  	_ =	shalt  }
0x70: {  	_ =	shalt  }
0x71: {  	_ =	shalt  }
0x72: {  	_ =	shalt  }
0x73: {  	_ =	shalt  }
0x74: {  	_ =	shalt  }
0x75: {  	_ =	shalt  }
0x76: {  	_ =	shalt  }
0x77: {  	_ =	shalt  }
0x78: {  	_ =	shalt  }
0x79: {  	_ =	shalt  }
0x7a: {  	_ =	shalt  }
0x7b: {  	_ =	shalt  }
0x7c: {  	_ =	shalt  }
0x7d: {  	_ =	shalt  }
0x7e: {  	_ =	shalt  }
0x7f: {  	_ =	shalt  }
0x80: {  	_ =	shalt  }
0x81: {  	_ =	shalt  }
0x82: {  	_ =	shalt  }
0x83: {  	_ =	shalt  }
0x84: {  	_ =	shalt  }
0x85: {  	_ =	shalt  }
0x86: {  	_ =	shalt  }
0x87: {  	_ =	shalt  }
.Lfunc_end0:
.L_simem_size_0:
called_computation_lowered:
.L_overlay_start_0:
0x88: {  	s2 =	sld [smem:$0x3FD9]  }
0x89: {  	s3 =	sld [smem:$0x3FFE];
	_ =	sdelay $0x1  }
0x8a: {  	s1 =	srdreg.scid  }
0x8b: {  	s0 =	sand.u32 $0x1, s1  }
0x8c: {  	s18 =	sshll.u32 s0, $0xA;
	s2 =	sadd.s32 s3, s2  }
0x8d: {  	s2 =	sadd.s32 s2, s18  }
0x8e: {  	[smem:$0x3FC7] =	sst s2  }
0x8f: {  	_ = 	snop  }
0x90: {  	s2 =	sld [smem:$0x3FC9]  }
0x91: {  	s19 =	sld [smem:$0x3FD0];
	(tm) =	ssettm $0x1  }
0x92: {  	s4 =	sld [smem:$0x3FFB];
	_ =	sdelay $0x3  }
0x93: {  	_ =	strace s4  }
0x94: {  	s4 =	sld [smem:$0x3FFC];
	_ =	sdelay $0x3  }
0x95: {  	_ =	strace s4  }
0x96: {  	s4 =	sld [smem:$0x3FFD];
	_ =	sdelay $0x3  }
0x97: {  	_ =	strace s4  }
0x98: {  	_ =	strace $0x8FFFFFFF  }
0x99: {  	s20 =	sld [smem:$0x3FDB];
	_ =	sdelay $0x1  }
0x9a: {  	s5 =	simm.s32 $_scs_section_size  }
0x9b: {  	s6 =	simm.s32 $_size__tile_overlayer_lowered;
	s7 =	simm.s32 $_tile_overlayer_lowered  }
0x9c: {  	s23 =	simm.s32 $0x1BFF;
	s22 =	sshll.u32 s7, $0x1;
	s4 =	sadd.s32 s5, s20  }
0x9d: {  	s8 =	simm.s32 $0x0;
	s21 =	sshll.u32 s6, $0x1;
	s6 =	sadd.s32 s22, s4  }
0x9e: {  	[timem:s8], [sflag:s23] =	dma.local [hbm:s6], s21  }
0x9f: {  	_ =	swait.ge [sflag:s23], s21  }
0xa0: {  	s5 =	ssub.s32 $0x0, s21;
	[sflag:s23] =	ssyncset.done $0x0  }
0xa1: {  	[sflag:s23] =	ssyncadd.s32 s5;
	_ =	sdelay $0x1  }
0xa2: {  	s24 =	simm.s32 $0x1B8B  }
0xa3: {  	_ =	swait.ge [sflag:s24], $0x1  }
0xa4: {  	[sflag:s24] =	ssyncset.done $0x0  }
0xa5: {  	s25 =	simm.s32 $0x1B8E;
	[sflag:s24] =	ssyncadd.s32 $0xFFFFFFFF  }
0xa6: {  	s26 =	simm.s32 $execute0_lowered;
	[smem:$0x3FD2] =	sst s25  }
0xa7: {  	s5 =	sshll.u32 s26, $0x1;
	_ =	strace $0x80000046;
	[dreg:$0x1] =	wrdreg $0xFFFFFFFF  }
0xa8: {  	s28 =	simm.s32 $_size_execute0_lowered;
	s4 =	sadd.s32 s4, s5;
	[dreg:$0x0] =	wrdreg $0x0  }
0xa9: {  	s5 =	sshll.u32 s28, $0x1;
	[dreg:$0x2] =	wrdreg s4  }
0xaa: {  	[dreg:$0x3] =	wrdreg s5  }
0xab: {  	[dreg:$0x4] =	wrdreg $0xC0  }
0xac: {  	_ =	task [dreg:s8], $0x5FFFF  }
0xad: {  	[dreg:$0x1] =	wrdreg $0xFFFFFFFF  }
0xae: {  	[dreg:$0x0] =	wrdreg $0x60  }
0xaf: {  	[dreg:$0x2] =	wrdreg s2  }
0xb0: {  	[dreg:$0x3] =	wrdreg s19  }
0xb1: {  	[dreg:$0x4] =	wrdreg $0x9  }
0xb2: {  	_ =	task.clear_ibuf [dreg:s8], $0x5FFFF;
	_ =	strace $0x90000046  }
0xb3: {  	s29 =	simm.s32 $0x9;
	_ =	strace $0x80000048  }
0xb4: {  	_ =	swait.ge [sflag:s29], $0x1  }
0xb5: {  	[sflag:s29] =	ssyncadd.s32 $0xFFFFFFFF  }
0xb6: {  	_ =	strace $0x90000048  }
0xb7: {  	_ =	sfence  }
0xb8: {  	s30 =	sld [smem:$0x0];
	_ =	sdelay $0x2  }
0xb9: {  	s31 =	sshll.u32 s1, $0xD;
	s1 =	sshrl.u32 s1, $0x2  }
0xba: {  	s3 =	sand.u32 $0x4000, s31;
	s1 =	sadd.s32 s1, s30  }
0xbb: {  	s0 =	sor.u32 s3, s0;
	s1 =	sshll.u32 s1, $0x11  }
0xbc: {  	s0 =	sor.u32 s1, s0  }
0xbd: {  	s0 =	sadd.s32 $0x8F2B, s0  }
0xbe: {  	[sflag:s0] =	ssyncadd.remote.s32 $0x1  }
0xbf: {  	_ =	sfence.sel $0xFFFF  }
0xc0: {  	[dreg:$0x0] =	wrdreg $0xFFFFFFFF;
	(pc) =	sbr.abs _section_cstart, $3  }
0xc1: {  	[dreg:$0x1] =	wrdreg $0xFFFFFFFF  }
0xc2: {  	_ =	task.clear_ibuf [dreg:s8], $0x2FFFF;
	_ =	strace $0x9FFFFFFF  }
0xc3: {  	(tm) =	ssettm $0x7FFFFFFF  }
tec
execute0_lowered:
.L_overlay_start_1:
0x0: {  	(tag) =	ssettag $0x1  }
0x1: {  	s1 =	rddreg [dreg:$0x0]  }
0x2: {  	s0 =	srdreg.scid;
	s8 =	rddreg [dreg:$0x1]  }
0x3: {  	s2 =	stileid.u32;
	s3 =	simm.s32 $0x0;
	s12 =	simm.s32 $0x8000  }
0x4: {  	s13 =	simm.s32 $0x2;
	s14 =	simm.s32 $0x80;
	s15 =	simm.s32 $0x400  }
0x5: {  	s16 =	simm.s32 $0x10000;
	s17 =	simm.s32 $0x3;
	s4 =	sand.u32 $0x1, s0  }
0x6: {  	s18 =	simm.s32 $0x0;
	s0 =	rddreg [dreg:$0x2];
	s5 =	sshll.u32 s4, $0x4  }
0x7: {  	s6 =	sand.u32 $0x1, s2;
	[smem:$0x7FF] =	sst s3;
	s5 =	sor.u32 s2, s5  }
0x8: {  	s7 =	sshll.u32 s2, $0xC;
	p1 =	seq.s32 s6, $0x1;
	p0 =	seq.s32 s5, $0x0  }
0x9: {  	_ =	strace $0x80000047;
	s4 =	ssub.s32 $0x2, s4;
	p0 =	por !p0, !p1  }
0xa: {  	s6 =	simm.s32 $0x1;
	s26 =	sand.u32 $0x1000, s7;
	p0 =	por !p0, !p0  }
0xb: {  	s9 =	sshrl.u32 s4, $0x1;
	s5 =	sshrl.u32 s5, $0x1;
	s6 =	simm.s32 @!p0 $0x0  }
0xc: {  	s9 =	ssub.s32 s4, s9;
	s4 =	simm.s32 $0x1;
	s5 =	ssub.s32 s5, s6  }
0xd: {  	s28 =	sshll.u32 s5, $0x15;
	s10 =	sshll.u32 s5, $0xA;
	s5 =	sshll.u32 s5, $0x7  }
0xe: {  	s7 =	sor.u32 s26, s28;
	s10 =	sand.u32 $0xFFFFE000, s10;
	s5 =	sand.u32 $0x380, s5  }
0xf: {  	s9 =	smax.u32 s9, $0x1;
	s11 =	sshrl.u32 s7, $0x3;
	s5 =	sor.u32 s10, s5  }
0x10: {  	s6 =	sor.u32 $0x140000, s7;
	s7 =	sor.u32 $0x150000, s7;
	s30 =	sor.u32 s26, s5  }
0x11: {  	s10 =	simm.s32 $0x1000;
	s29 =	sadd.s32 s11, s1;
	s31 =	sshrl.u32 s30, $0x3  }
0x12: {  	s11 =	simm.s32 $0x2000;
	s5 =	sadd.s32 $0x26000, s29;
	s8 =	sadd.s32 s8, s31  }
.LBB2_1:
0x13: {  	v0 =	vimm.f32 $0.0e+00;
	v6 =	vimm.f32 $0.0e+00  }
0x14: {  	v1 =	vimm.f32 $0.0e+00;
	v2 =	vimm.f32 $0.0e+00;
	v3 =	vimm.f32 $0.0e+00  }
0x15: {  	v4 =	vimm.f32 $0.0e+00;
	v5 =	vimm.f32 $0.0e+00;
	v31 =	vimm.f32 $0.0e+00  }
0x16: {  	v33 =	vimm.f32 $0.0e+00;
	v34 =	vimm.f32 $0.0e+00;
	v35 =	vimm.f32 $0.0e+00  }
0x17: {  	v36 =	vimm.f32 $0.0e+00;
	v37 =	vimm.f32 $0.0e+00;
	v38 =	vimm.f32 $0.0e+00  }
0x18: {  	v39 =	vimm.f32 $0.0e+00;
	v40 =	vimm.f32 $0.0e+00;
	v41 =	vimm.f32 $0.0e+00  }
0x19: {  	v42 =	vimm.f32 $0.0e+00;
	v43 =	vimm.f32 $0.0e+00;
	v19 =	vimm.f32 $0.0e+00  }
0x1a: {  	v18 =	vimm.f32 $0.0e+00;
	v17 =	vimm.f32 $0.0e+00;
	v16 =	vimm.f32 $0.0e+00  }
0x1b: {  	v15 =	vimm.f32 $0.0e+00;
	v14 =	vimm.f32 $0.0e+00;
	v13 =	vimm.f32 $0.0e+00  }
0x1c: {  	[tilespmem:s3], [sflag:$0x1] =	stream.strided.gather [hbm4b:s5+s10], $0x8000, s11, s10, $0x38;
	v12 =	vimm.f32 $0.0e+00;
	v11 =	vimm.f32 $0.0e+00;
	v10 =	vimm.f32 $0.0e+00;
	[tilespmem:$0x10200] =	vst v63  }
0x1d: {  	v9 =	vimm.f32 $0.0e+00;
	v8 =	vimm.f32 $0.0e+00;
	v7 =	vimm.f32 $0.0e+00;
	s19 =	simm.s32 $0x0  }
.LBB2_2:
0x1e: {  	s20 =	sshll.u32 s19, $0x11  }
0x1f: {  	s21 =	sadd.s32 s20, s6  }
0x20: {  	s21 =	sshrl.u32 s21, $0x3  }
0x21: {  	s21 =	sadd.s32 s1, s21  }
0x22: {  	[tilespmem:s12], [sflag:$0x2] =	stream.strided.gather [hbm4b:s21+s10], $0x8000, s11, s10, $0x38;
	[tilespmem:$0x10200] =	vst v63  }
0x23: {  	s31 =	simm.s32 $0x0;
	_ =	swait.ge [sflag:s4], $0x8000  }
0x24: {  	s22 =	sand.u32 $0x7000, s31;
	s21 =	sand.u32 $0x380, s31;
	[sflag:s4] =	ssyncset.done $0x0  }
0x25: {  	s21 =	sor.u32 s21, s22;
	[sflag:s4] =	ssyncadd.s32 $0xFFFF8000  }
0x26: {  	v20 =	vld [tilespmem:s21+$0xC70]  }
0x27: {  	v21 =	vld [tilespmem:s21+$0x0]  }
0x28: {  	v22 =	vld [tilespmem:s21+$0x10]  }
0x29: {  	v23 =	vld [tilespmem:s21+$0x20]  }
0x2a: {  	v24 =	vld [tilespmem:s21+$0x30]  }
0x2b: {  	v25 =	vld [tilespmem:s21+$0x40]  }
0x2c: {  	v26 =	vld [tilespmem:s21+$0x50]  }
0x2d: {  	v27 =	vld [tilespmem:s21+$0x60]  }
0x2e: {  	v28 =	vld [tilespmem:s21+$0x70]  }
0x2f: {  	v29 =	vld [tilespmem:s21+$0x400]  }
0x30: {  	v30 =	vld [tilespmem:s21+$0x410]  }
0x31: {  	v32 =	vld [tilespmem:s21+$0x420]  }
0x32: {  	v44 =	vld [tilespmem:s21+$0x430]  }
0x33: {  	v45 =	vld [tilespmem:s21+$0x440]  }
0x34: {  	v46 =	vld [tilespmem:s21+$0x450]  }
0x35: {  	v47 =	vld [tilespmem:s21+$0x460]  }
0x36: {  	v48 =	vld [tilespmem:s21+$0x470]  }
0x37: {  	v49 =	vld [tilespmem:s21+$0x800]  }
0x38: {  	v50 =	vld [tilespmem:s21+$0x810];
	v6 =	vadd.f32 v20, v6;
	v7 =	vadd.f32 v21, v7  }
0x39: {  	v51 =	vld [tilespmem:s21+$0x820];
	v8 =	vadd.f32 v22, v8;
	v9 =	vadd.f32 v23, v9  }
0x3a: {  	v52 =	vld [tilespmem:s21+$0x830];
	v10 =	vadd.f32 v24, v10;
	v11 =	vadd.f32 v25, v11  }
0x3b: {  	v63 =	vld [tilespmem:s21+$0xC00];
	v12 =	vadd.f32 v26, v12;
	v13 =	vadd.f32 v27, v13  }
0x3c: {  	v27 =	vld [tilespmem:s21+$0x840];
	v14 =	vadd.f32 v28, v14;
	v15 =	vadd.f32 v29, v15  }
0x3d: {  	v28 =	vld [tilespmem:s21+$0x850];
	v16 =	vadd.f32 v30, v16;
	v17 =	vadd.f32 v32, v17  }
0x3e: {  	v29 =	vld [tilespmem:s21+$0x860];
	v18 =	vadd.f32 v44, v18;
	v19 =	vadd.f32 v45, v19  }
0x3f: {  	v30 =	vld [tilespmem:s21+$0x870];
	v20 =	vadd.f32 v46, v43;
	v21 =	vadd.f32 v47, v42  }
0x40: {  	v22 =	vadd.f32 v48, v41;
	v23 =	vadd.f32 v49, v40;
	v32 =	vld [tilespmem:s21+$0xC10]  }
0x41: {  	v24 =	vadd.f32 v50, v39;
	v25 =	vadd.f32 v51, v38;
	v38 =	vld [tilespmem:s21+$0xC20]  }
0x42: {  	v26 =	vadd.f32 v52, v37;
	v27 =	vadd.f32 v27, v36;
	v36 =	vld [tilespmem:s21+$0xC30]  }
0x43: {  	s23 =	simm.s32 $0x200;
	s22 =	simm.s32 $0x80;
	v31 =	vadd.f32 v63, v31;
	v29 =	vadd.f32 v29, v34;
	v34 =	vld [tilespmem:s21+$0xC40]  }
0x44: {  	s24 =	sand.u32 $0x7000, s23;
	s23 =	simm.s32 $0x400;
	s25 =	sand.u32 $0x380, s22;
	v28 =	vadd.f32 v28, v35;
	v30 =	vadd.f32 v30, v33;
	v33 =	vld [tilespmem:s21+$0xC50]  }
.LBB2_3:
0x45: {  	p0 =	sne.s32 s23, $0x7E00;
	v35 =	vld [tilespmem:s21+$0xC60];
	s21 =	sor.u32 s25, s24;
	v5 =	vadd.f32 v32, v5  }
0x46: {  	v32 =	vld [tilespmem:s21+$0xC70];
	v4 =	vadd.f32 v38, v4  }
0x47: {  	v37 =	vld [tilespmem:s21+$0x0];
	v3 =	vadd.f32 v36, v3  }
0x48: {  	v36 =	vld [tilespmem:s21+$0x10];
	v2 =	vadd.f32 v34, v2  }
0x49: {  	v34 =	vld [tilespmem:s21+$0x20];
	v1 =	vadd.f32 v33, v1  }
0x4a: {  	v33 =	vld [tilespmem:s21+$0x30];
	v0 =	vadd.f32 v35, v0  }
0x4b: {  	v35 =	vld [tilespmem:s21+$0x40];
	v6 =	vadd.f32 v32, v6  }
0x4c: {  	v32 =	vld [tilespmem:s21+$0x50];
	v7 =	vadd.f32 v37, v7  }
0x4d: {  	v37 =	vld [tilespmem:s21+$0x60];
	v8 =	vadd.f32 v36, v8  }
0x4e: {  	v36 =	vld [tilespmem:s21+$0x70];
	v9 =	vadd.f32 v34, v9  }
0x4f: {  	v34 =	vld [tilespmem:s21+$0x400];
	v10 =	vadd.f32 v33, v10  }
0x50: {  	v33 =	vld [tilespmem:s21+$0x410];
	v11 =	vadd.f32 v35, v11  }
0x51: {  	v35 =	vld [tilespmem:s21+$0x420];
	v12 =	vadd.f32 v32, v12  }
0x52: {  	v32 =	vld [tilespmem:s21+$0x430];
	v13 =	vadd.f32 v37, v13  }
0x53: {  	v37 =	vld [tilespmem:s21+$0x440];
	v14 =	vadd.f32 v36, v14  }
0x54: {  	v36 =	vld [tilespmem:s21+$0x450];
	v15 =	vadd.f32 v34, v15  }
0x55: {  	v34 =	vld [tilespmem:s21+$0x460];
	v16 =	vadd.f32 v33, v16  }
0x56: {  	v33 =	vld [tilespmem:s21+$0x470];
	v17 =	vadd.f32 v35, v17  }
0x57: {  	v35 =	vld [tilespmem:s21+$0x800];
	v18 =	vadd.f32 v32, v18  }
0x58: {  	v32 =	vld [tilespmem:s21+$0x810];
	v19 =	vadd.f32 v37, v19  }
0x59: {  	v37 =	vld [tilespmem:s21+$0x820];
	v20 =	vadd.f32 v36, v20  }
0x5a: {  	v36 =	vld [tilespmem:s21+$0x830];
	v21 =	vadd.f32 v34, v21  }
0x5b: {  	v34 =	vld [tilespmem:s21+$0x840];
	v22 =	vadd.f32 v33, v22  }
0x5c: {  	v33 =	vld [tilespmem:s21+$0x850];
	v23 =	vadd.f32 v35, v23  }
0x5d: {  	v35 =	vld [tilespmem:s21+$0x860];
	v24 =	vadd.f32 v32, v24  }
0x5e: {  	v39 =	vld [tilespmem:s21+$0x870];
	v25 =	vadd.f32 v37, v25  }
0x5f: {  	v37 =	vld [tilespmem:s21+$0xC00];
	v26 =	vadd.f32 v36, v26  }
.Ltmp0:
0x60: {  	v32 =	vld [tilespmem:s21+$0xC10];
	v27 =	vadd.f32 v34, v27;
	(pc) =	sbr.rel @p0 .LBB2_3-.Ltmp0, $4  }
0x61: {  	v38 =	vld [tilespmem:s21+$0xC20];
	v28 =	vadd.f32 v33, v28  }
0x62: {  	v36 =	vld [tilespmem:s21+$0xC30];
	v29 =	vadd.f32 v35, v29  }
0x63: {  	s22 =	sadd.s32 $0x80, s22;
	v34 =	vld [tilespmem:s21+$0xC40];
	v30 =	vadd.f32 v39, v30  }
0x64: {  	s24 =	sand.u32 $0x7000, s23;
	s23 =	sadd.s32 $0x200, s23;
	s25 =	sand.u32 $0x380, s22;
	v33 =	vld [tilespmem:s21+$0xC50];
	v31 =	vadd.f32 v37, v31  }
0x65: {  	s22 =	sor.u32 s25, s24;
	v35 =	vld [tilespmem:s21+$0xC60]  }
0x66: {  	v37 =	vld [tilespmem:s22+$0xC70]  }
0x67: {  	v62 =	vld [tilespmem:s22+$0x870]  }
0x68: {  	v39 =	vld [tilespmem:s22+$0x0]  }
0x69: {  	v40 =	vld [tilespmem:s22+$0x10]  }
0x6a: {  	v41 =	vld [tilespmem:s22+$0x20]  }
0x6b: {  	v42 =	vld [tilespmem:s22+$0x30]  }
0x6c: {  	[tilespmem:$0x1FFA0] =	vst v62;
	v62 =	vld [tilespmem:s22+$0xC10]  }
0x6d: {  	v43 =	vld [tilespmem:s22+$0x40]  }
0x6e: {  	v44 =	vld [tilespmem:s22+$0x50]  }
0x6f: {  	v45 =	vld [tilespmem:s22+$0x60]  }
0x70: {  	v46 =	vld [tilespmem:s22+$0x70]  }
0x71: {  	[tilespmem:$0x1FFB0] =	vst v62;
	v62 =	vld [tilespmem:s22+$0xC20]  }
0x72: {  	v47 =	vld [tilespmem:s22+$0x400]  }
0x73: {  	v48 =	vld [tilespmem:s22+$0x410]  }
0x74: {  	v49 =	vld [tilespmem:s22+$0x420]  }
0x75: {  	v50 =	vld [tilespmem:s22+$0x430]  }
0x76: {  	[tilespmem:$0x1FFC0] =	vst v62;
	v62 =	vld [tilespmem:s22+$0xC30]  }
0x77: {  	v51 =	vld [tilespmem:s22+$0x440]  }
0x78: {  	v52 =	vld [tilespmem:s22+$0x450]  }
0x79: {  	v53 =	vld [tilespmem:s22+$0x460]  }
0x7a: {  	v54 =	vld [tilespmem:s22+$0x470]  }
0x7b: {  	[tilespmem:$0x1FFD0] =	vst v62;
	v62 =	vld [tilespmem:s22+$0xC40]  }
0x7c: {  	v55 =	vld [tilespmem:s22+$0x800]  }
0x7d: {  	v56 =	vld [tilespmem:s22+$0x810]  }
0x7e: {  	v57 =	vld [tilespmem:s22+$0x820]  }
0x7f: {  	v58 =	vld [tilespmem:s22+$0x830]  }
0x80: {  	[tilespmem:$0x1FFE0] =	vst v62;
	v62 =	vld [tilespmem:s22+$0xC50]  }
0x81: {  	v59 =	vld [tilespmem:s22+$0x840]  }
0x82: {  	s20 =	sadd.s32 s20, s7;
	v60 =	vld [tilespmem:s22+$0x850]  }
0x83: {  	v61 =	vld [tilespmem:s22+$0x860];
	s20 =	sshrl.u32 s20, $0x3  }
0x84: {  	s29 =	simm.s32 $0x0;
	v63 =	vld [tilespmem:s22+$0xC00];
	s20 =	sadd.s32 s1, s20  }
0x85: {  	[tilespmem:$0x1FFF0] =	vst v62;
	v62 =	vld [tilespmem:s22+$0xC60];
	[tilespmem:s29], [sflag:$0x1] =	stream.strided.gather [hbm4b:s20+s10], $0x8000, s11, s10, $0x38  }
0x86: {  	_ =	swait.ge [sflag:s13], $0x8000  }
0x87: {  	v35 =	vadd.f32 v35, v0;
	v0 =	vld [tilespmem:$0x1FFA0]  }
0x88: {  	s30 =	sand.u32 $0x7000, s29;
	s21 =	sand.u32 $0x380, s29;
	v33 =	vadd.f32 v33, v1;
	[sflag:s13] =	ssyncset.done $0x0;
	v1 =	vld [tilespmem:$0x1FFC0]  }
0x89: {  	v5 =	vadd.f32 v32, v5;
	v32 =	vadd.f32 v34, v2;
	s20 =	sor.u32 s21, s30;
	v2 =	vld [tilespmem:$0x1FFD0];
	[sflag:s13] =	ssyncadd.s32 $0xFFFF8000  }
0x8a: {  	v34 =	vld [tilespmem:s20+$0x8C70]  }
0x8b: {  	v3 =	vadd.f32 v36, v3;
	v36 =	vld [tilespmem:s20+$0x8000]  }
0x8c: {  	v6 =	vadd.f32 v37, v6;
	v37 =	vld [tilespmem:s20+$0x8010]  }
0x8d: {  	v4 =	vadd.f32 v38, v4;
	v38 =	vld [tilespmem:s20+$0x8020]  }
0x8e: {  	v7 =	vadd.f32 v39, v7;
	v39 =	vld [tilespmem:s20+$0x8030]  }
0x8f: {  	v8 =	vadd.f32 v40, v8;
	v40 =	vld [tilespmem:s20+$0x8040]  }
0x90: {  	v9 =	vadd.f32 v41, v9;
	v41 =	vld [tilespmem:s20+$0x8050]  }
0x91: {  	v10 =	vadd.f32 v42, v10;
	v11 =	vadd.f32 v43, v11;
	v42 =	vld [tilespmem:s20+$0x8060]  }
0x92: {  	v12 =	vadd.f32 v44, v12;
	v13 =	vadd.f32 v45, v13;
	v43 =	vld [tilespmem:s20+$0x8070]  }
0x93: {  	v14 =	vadd.f32 v46, v14;
	v15 =	vadd.f32 v47, v15;
	v44 =	vld [tilespmem:s20+$0x8400]  }
0x94: {  	v16 =	vadd.f32 v48, v16;
	v17 =	vadd.f32 v49, v17;
	v45 =	vld [tilespmem:s20+$0x8410]  }
0x95: {  	v18 =	vadd.f32 v50, v18;
	v19 =	vadd.f32 v51, v19;
	v46 =	vld [tilespmem:s20+$0x8420]  }
0x96: {  	v20 =	vadd.f32 v52, v20;
	v21 =	vadd.f32 v53, v21;
	v47 =	vld [tilespmem:s20+$0x8430]  }
0x97: {  	v22 =	vadd.f32 v54, v22;
	v23 =	vadd.f32 v55, v23;
	v48 =	vld [tilespmem:s20+$0x8440]  }
0x98: {  	v24 =	vadd.f32 v56, v24;
	v25 =	vadd.f32 v57, v25;
	v52 =	vld [tilespmem:s20+$0x8450]  }
0x99: {  	v26 =	vadd.f32 v58, v26;
	v27 =	vadd.f32 v59, v27;
	v53 =	vld [tilespmem:s20+$0x8460]  }
0x9a: {  	v28 =	vadd.f32 v60, v28;
	v29 =	vadd.f32 v61, v29;
	v54 =	vld [tilespmem:s20+$0x8470]  }
0x9b: {  	v31 =	vadd.f32 v63, v31;
	v55 =	vld [tilespmem:s20+$0x8800];
	v30 =	vadd.f32 v0, v30  }
0x9c: {  	v56 =	vld [tilespmem:s20+$0x8810];
	v1 =	vadd.f32 v1, v4;
	v2 =	vadd.f32 v2, v3  }
0x9d: {  	v57 =	vld [tilespmem:s20+$0x8820];
	v6 =	vadd.f32 v34, v6;
	v7 =	vadd.f32 v36, v7  }
0x9e: {  	v58 =	vld [tilespmem:s20+$0x8830];
	v8 =	vadd.f32 v37, v8;
	v9 =	vadd.f32 v38, v9  }
0x9f: {  	v59 =	vld [tilespmem:s20+$0x8840];
	v10 =	vadd.f32 v39, v10;
	v11 =	vadd.f32 v40, v11  }
0xa0: {  	v60 =	vld [tilespmem:s20+$0x8850];
	v12 =	vadd.f32 v41, v12;
	v13 =	vadd.f32 v42, v13  }
0xa1: {  	v0 =	vld [tilespmem:$0x1FFB0];
	v14 =	vadd.f32 v43, v14;
	v15 =	vadd.f32 v44, v15  }
0xa2: {  	v3 =	vld [tilespmem:$0x1FFE0];
	v16 =	vadd.f32 v45, v16;
	v17 =	vadd.f32 v46, v17  }
0xa3: {  	v4 =	vld [tilespmem:$0x1FFF0];
	v18 =	vadd.f32 v47, v18;
	v19 =	vadd.f32 v48, v19  }
0xa4: {  	v61 =	vld [tilespmem:s20+$0x8860];
	v20 =	vadd.f32 v52, v20;
	v21 =	vadd.f32 v53, v21  }
0xa5: {  	v63 =	vld [tilespmem:s20+$0x8C00];
	v22 =	vadd.f32 v54, v22;
	v23 =	vadd.f32 v55, v23  }
0xa6: {  	v0 =	vadd.f32 v0, v5;
	v5 =	vadd.f32 v62, v35;
	v62 =	vld [tilespmem:s20+$0x8870]  }
0xa7: {  	v24 =	vadd.f32 v56, v24;
	v3 =	vadd.f32 v3, v32;
	v32 =	vld [tilespmem:s20+$0x8C10]  }
0xa8: {  	v25 =	vadd.f32 v57, v25;
	v4 =	vadd.f32 v4, v33;
	v33 =	vld [tilespmem:s20+$0x8C20]  }
0xa9: {  	v26 =	vadd.f32 v58, v26;
	v27 =	vadd.f32 v59, v27;
	v34 =	vld [tilespmem:s20+$0x8C30]  }
0xaa: {  	s31 =	simm.s32 $0x200;
	s21 =	simm.s32 $0x80;
	v28 =	vadd.f32 v60, v28;
	v29 =	vadd.f32 v61, v29;
	v35 =	vld [tilespmem:s20+$0x8C40]  }
0xab: {  	s23 =	sand.u32 $0x7000, s31;
	s22 =	simm.s32 $0x400;
	s24 =	sand.u32 $0x380, s21;
	v36 =	vld [tilespmem:s20+$0x8C50];
	v31 =	vadd.f32 v63, v31;
	v30 =	vadd.f32 v62, v30  }
.LBB2_5:
0xac: {  	p0 =	sne.s32 s22, $0x7E00;
	v37 =	vld [tilespmem:s20+$0x8C60];
	s20 =	sor.u32 s24, s23;
	v0 =	vadd.f32 v32, v0  }
0xad: {  	v32 =	vld [tilespmem:s20+$0x8C70];
	v1 =	vadd.f32 v33, v1  }
0xae: {  	v33 =	vld [tilespmem:s20+$0x8000];
	v2 =	vadd.f32 v34, v2  }
0xaf: {  	v34 =	vld [tilespmem:s20+$0x8010];
	v3 =	vadd.f32 v35, v3  }
0xb0: {  	v35 =	vld [tilespmem:s20+$0x8020];
	v4 =	vadd.f32 v36, v4  }
0xb1: {  	v36 =	vld [tilespmem:s20+$0x8030];
	v5 =	vadd.f32 v37, v5  }
0xb2: {  	v37 =	vld [tilespmem:s20+$0x8040];
	v6 =	vadd.f32 v32, v6  }
0xb3: {  	v32 =	vld [tilespmem:s20+$0x8050];
	v7 =	vadd.f32 v33, v7  }
0xb4: {  	v33 =	vld [tilespmem:s20+$0x8060];
	v8 =	vadd.f32 v34, v8  }
0xb5: {  	v34 =	vld [tilespmem:s20+$0x8070];
	v9 =	vadd.f32 v35, v9  }
0xb6: {  	v35 =	vld [tilespmem:s20+$0x8400];
	v10 =	vadd.f32 v36, v10  }
0xb7: {  	v36 =	vld [tilespmem:s20+$0x8410];
	v11 =	vadd.f32 v37, v11  }
0xb8: {  	v37 =	vld [tilespmem:s20+$0x8420];
	v12 =	vadd.f32 v32, v12  }
0xb9: {  	v32 =	vld [tilespmem:s20+$0x8430];
	v13 =	vadd.f32 v33, v13  }
0xba: {  	v33 =	vld [tilespmem:s20+$0x8440];
	v14 =	vadd.f32 v34, v14  }
0xbb: {  	v34 =	vld [tilespmem:s20+$0x8450];
	v15 =	vadd.f32 v35, v15  }
0xbc: {  	v35 =	vld [tilespmem:s20+$0x8460];
	v16 =	vadd.f32 v36, v16  }
0xbd: {  	v36 =	vld [tilespmem:s20+$0x8470];
	v17 =	vadd.f32 v37, v17  }
0xbe: {  	v37 =	vld [tilespmem:s20+$0x8800];
	v18 =	vadd.f32 v32, v18  }
0xbf: {  	v32 =	vld [tilespmem:s20+$0x8810];
	v19 =	vadd.f32 v33, v19  }
0xc0: {  	v33 =	vld [tilespmem:s20+$0x8820];
	v20 =	vadd.f32 v34, v20  }
0xc1: {  	v34 =	vld [tilespmem:s20+$0x8830];
	v21 =	vadd.f32 v35, v21  }
0xc2: {  	v35 =	vld [tilespmem:s20+$0x8840];
	v22 =	vadd.f32 v36, v22  }
0xc3: {  	v36 =	vld [tilespmem:s20+$0x8850];
	v23 =	vadd.f32 v37, v23  }
0xc4: {  	v37 =	vld [tilespmem:s20+$0x8860];
	v24 =	vadd.f32 v32, v24  }
0xc5: {  	v38 =	vld [tilespmem:s20+$0x8870];
	v25 =	vadd.f32 v33, v25  }
0xc6: {  	v39 =	vld [tilespmem:s20+$0x8C00];
	v26 =	vadd.f32 v34, v26  }
.Ltmp1:
0xc7: {  	v32 =	vld [tilespmem:s20+$0x8C10];
	v27 =	vadd.f32 v35, v27;
	(pc) =	sbr.rel @p0 .LBB2_5-.Ltmp1, $4  }
0xc8: {  	v33 =	vld [tilespmem:s20+$0x8C20];
	v28 =	vadd.f32 v36, v28  }
0xc9: {  	v34 =	vld [tilespmem:s20+$0x8C30];
	v29 =	vadd.f32 v37, v29  }
0xca: {  	s21 =	sadd.s32 $0x80, s21;
	v35 =	vld [tilespmem:s20+$0x8C40];
	v30 =	vadd.f32 v38, v30  }
0xcb: {  	s23 =	sand.u32 $0x7000, s22;
	s22 =	sadd.s32 $0x200, s22;
	s24 =	sand.u32 $0x380, s21;
	v36 =	vld [tilespmem:s20+$0x8C50];
	v31 =	vadd.f32 v39, v31  }
0xcc: {  	s21 =	sor.u32 s24, s23;
	v37 =	vld [tilespmem:s20+$0x8C60]  }
0xcd: {  	v38 =	vld [tilespmem:s21+$0x8C70]  }
0xce: {  	v39 =	vld [tilespmem:s21+$0x8000]  }
0xcf: {  	v40 =	vld [tilespmem:s21+$0x8010]  }
0xd0: {  	v41 =	vld [tilespmem:s21+$0x8020]  }
0xd1: {  	v42 =	vld [tilespmem:s21+$0x8030]  }
0xd2: {  	v43 =	vld [tilespmem:s21+$0x8040]  }
0xd3: {  	v44 =	vld [tilespmem:s21+$0x8050]  }
0xd4: {  	v45 =	vld [tilespmem:s21+$0x8060]  }
0xd5: {  	v46 =	vld [tilespmem:s21+$0x8070]  }
0xd6: {  	v47 =	vld [tilespmem:s21+$0x8400]  }
0xd7: {  	v48 =	vld [tilespmem:s21+$0x8410]  }
0xd8: {  	v49 =	vld [tilespmem:s21+$0x8420]  }
0xd9: {  	v50 =	vld [tilespmem:s21+$0x8430]  }
0xda: {  	v51 =	vld [tilespmem:s21+$0x8440]  }
0xdb: {  	v52 =	vld [tilespmem:s21+$0x8450]  }
0xdc: {  	v53 =	vld [tilespmem:s21+$0x8460]  }
0xdd: {  	v54 =	vld [tilespmem:s21+$0x8470]  }
0xde: {  	v55 =	vld [tilespmem:s21+$0x8800]  }
0xdf: {  	v0 =	vadd.f32 v32, v0;
	v1 =	vadd.f32 v33, v1;
	v63 =	vld [tilespmem:s21+$0x8810]  }
0xe0: {  	v33 =	vld [tilespmem:s21+$0x8850];
	v2 =	vadd.f32 v34, v2;
	v56 =	vadd.f32 v35, v3  }
0xe1: {  	v59 =	vld [tilespmem:s21+$0x8C10];
	v57 =	vadd.f32 v36, v4;
	v58 =	vadd.f32 v37, v5  }
0xe2: {  	v60 =	vld [tilespmem:s21+$0x8C20];
	v6 =	vadd.f32 v38, v6;
	v7 =	vadd.f32 v39, v7  }
0xe3: {  	v61 =	vld [tilespmem:s21+$0x8C40];
	v8 =	vadd.f32 v40, v8;
	v9 =	vadd.f32 v41, v9  }
0xe4: {  	v62 =	vld [tilespmem:s21+$0x8C50];
	v10 =	vadd.f32 v42, v10;
	v11 =	vadd.f32 v43, v11  }
0xe5: {  	v34 =	vld [tilespmem:s21+$0x8860];
	v12 =	vadd.f32 v44, v12;
	v13 =	vadd.f32 v45, v13  }
0xe6: {  	v3 =	vld [tilespmem:s21+$0x8820];
	v14 =	vadd.f32 v46, v14;
	v15 =	vadd.f32 v47, v15  }
0xe7: {  	v4 =	vld [tilespmem:s21+$0x8830];
	v16 =	vadd.f32 v48, v16;
	v17 =	vadd.f32 v49, v17  }
0xe8: {  	v5 =	vld [tilespmem:s21+$0x8840];
	v18 =	vadd.f32 v50, v18;
	v19 =	vadd.f32 v51, v19  }
0xe9: {  	v44 =	vld [tilespmem:s21+$0x8870];
	v43 =	vadd.f32 v52, v20;
	v42 =	vadd.f32 v53, v21  }
0xea: {  	v45 =	vld [tilespmem:s21+$0x8C00];
	v41 =	vadd.f32 v54, v22;
	v40 =	vadd.f32 v55, v23  }
0xeb: {  	s19 =	sadd.s32 $0x1, s19;
	v20 =	vld [tilespmem:s21+$0x8C30];
	v39 =	vadd.f32 v63, v24;
	v35 =	vadd.f32 v33, v28  }
0xec: {  	p0 =	sne.s32 s19, $0x6;
	v63 =	vld [tilespmem:s21+$0x8C60];
	v34 =	vadd.f32 v34, v29;
	v38 =	vadd.f32 v3, v25  }
.Ltmp2:
0xed: {  	v37 =	vadd.f32 v4, v26;
	v4 =	vadd.f32 v60, v1;
	(pc) =	sbr.rel @p0 .LBB2_2-.Ltmp2, $4  }
0xee: {  	v1 =	vadd.f32 v62, v57;
	v36 =	vadd.f32 v5, v27  }
0xef: {  	v5 =	vadd.f32 v59, v0;
	v33 =	vadd.f32 v44, v30  }
0xf0: {  	v31 =	vadd.f32 v45, v31;
	v3 =	vadd.f32 v20, v2  }
0xf1: {  	v2 =	vadd.f32 v61, v56;
	v0 =	vadd.f32 v63, v58  }
0xf2: {  	_ =	swait.ge [sflag:s4], $0x8000;
	s19 =	simm.s32 $0x0  }
0xf3: {  	[sflag:s4] =	ssyncset.done $0x0;
	s20 =	sand.u32 $0x7000, s19;
	s19 =	sand.u32 $0x380, s19  }
0xf4: {  	[sflag:s4] =	ssyncadd.s32 $0xFFFF8000;
	s19 =	sor.u32 s19, s20  }
0xf5: {  	v20 =	vld [tilespmem:s19+$0xC70]  }
0xf6: {  	v21 =	vld [tilespmem:s19+$0x0]  }
0xf7: {  	v22 =	vld [tilespmem:s19+$0x10]  }
0xf8: {  	v23 =	vld [tilespmem:s19+$0x20]  }
0xf9: {  	v24 =	vld [tilespmem:s19+$0x30]  }
0xfa: {  	v25 =	vld [tilespmem:s19+$0x40]  }
0xfb: {  	v27 =	vld [tilespmem:s19+$0x50]  }
0xfc: {  	v44 =	vld [tilespmem:s19+$0x60]  }
0xfd: {  	v45 =	vld [tilespmem:s19+$0x70]  }
0xfe: {  	v46 =	vld [tilespmem:s19+$0x400]  }
0xff: {  	v47 =	vld [tilespmem:s19+$0x410]  }
0x100: {  	v48 =	vld [tilespmem:s19+$0x420]  }
0x101: {  	v49 =	vld [tilespmem:s19+$0x430]  }
0x102: {  	v50 =	vld [tilespmem:s19+$0x440]  }
0x103: {  	v51 =	vld [tilespmem:s19+$0x450]  }
0x104: {  	v52 =	vld [tilespmem:s19+$0x460]  }
0x105: {  	v53 =	vld [tilespmem:s19+$0x470]  }
0x106: {  	v54 =	vld [tilespmem:s19+$0x800]  }
0x107: {  	v61 =	vld [tilespmem:s19+$0x860];
	v6 =	vadd.f32 v20, v6;
	v30 =	vadd.f32 v21, v7  }
0x108: {  	v62 =	vld [tilespmem:s19+$0x870];
	v32 =	vadd.f32 v22, v8;
	v28 =	vadd.f32 v23, v9  }
0x109: {  	v7 =	vld [tilespmem:s19+$0x810];
	v29 =	vadd.f32 v24, v10;
	v26 =	vadd.f32 v25, v11  }
0x10a: {  	v8 =	vld [tilespmem:s19+$0x820];
	v27 =	vadd.f32 v27, v12;
	v24 =	vadd.f32 v44, v13  }
0x10b: {  	v9 =	vld [tilespmem:s19+$0x830];
	v25 =	vadd.f32 v45, v14;
	v22 =	vadd.f32 v46, v15  }
0x10c: {  	v10 =	vld [tilespmem:s19+$0x840];
	v23 =	vadd.f32 v47, v16;
	v20 =	vadd.f32 v48, v17  }
0x10d: {  	v15 =	vld [tilespmem:s19+$0x850];
	v21 =	vadd.f32 v49, v18;
	v18 =	vadd.f32 v50, v19  }
0x10e: {  	v63 =	vld [tilespmem:s19+$0xC00];
	v19 =	vadd.f32 v51, v43;
	v16 =	vadd.f32 v52, v42  }
0x10f: {  	v17 =	vadd.f32 v53, v41;
	v13 =	vadd.f32 v54, v40;
	v40 =	vld [tilespmem:s19+$0xC10]  }
0x110: {  	v14 =	vadd.f32 v7, v39;
	v11 =	vadd.f32 v8, v38;
	v38 =	vld [tilespmem:s19+$0xC20]  }
0x111: {  	v12 =	vadd.f32 v9, v37;
	v7 =	vadd.f32 v10, v36;
	v36 =	vld [tilespmem:s19+$0xC30]  }
0x112: {  	s21 =	simm.s32 $0x200;
	s20 =	simm.s32 $0x80;
	v8 =	vadd.f32 v15, v35;
	v9 =	vadd.f32 v61, v34;
	v34 =	vld [tilespmem:s19+$0xC40]  }
0x113: {  	s22 =	sand.u32 $0x7000, s21;
	s21 =	simm.s32 $0x400;
	s23 =	sand.u32 $0x380, s20;
	v10 =	vadd.f32 v62, v33;
	v33 =	vld [tilespmem:s19+$0xC50];
	v15 =	vadd.f32 v63, v31  }
.LBB2_8:
0x114: {  	p0 =	sne.s32 s21, $0x7E00;
	v31 =	vld [tilespmem:s19+$0xC60];
	s19 =	sor.u32 s23, s22;
	v5 =	vadd.f32 v40, v5  }
0x115: {  	v35 =	vld [tilespmem:s19+$0xC70];
	v4 =	vadd.f32 v38, v4  }
0x116: {  	v37 =	vld [tilespmem:s19+$0x0];
	v3 =	vadd.f32 v36, v3  }
0x117: {  	v36 =	vld [tilespmem:s19+$0x10];
	v2 =	vadd.f32 v34, v2  }
0x118: {  	v34 =	vld [tilespmem:s19+$0x20];
	v1 =	vadd.f32 v33, v1  }
0x119: {  	v33 =	vld [tilespmem:s19+$0x30];
	v0 =	vadd.f32 v31, v0  }
0x11a: {  	v31 =	vld [tilespmem:s19+$0x40];
	v6 =	vadd.f32 v35, v6  }
0x11b: {  	v35 =	vld [tilespmem:s19+$0x50];
	v30 =	vadd.f32 v37, v30  }
0x11c: {  	v37 =	vld [tilespmem:s19+$0x60];
	v32 =	vadd.f32 v36, v32  }
0x11d: {  	v36 =	vld [tilespmem:s19+$0x70];
	v28 =	vadd.f32 v34, v28  }
0x11e: {  	v34 =	vld [tilespmem:s19+$0x400];
	v29 =	vadd.f32 v33, v29  }
0x11f: {  	v33 =	vld [tilespmem:s19+$0x410];
	v26 =	vadd.f32 v31, v26  }
0x120: {  	v31 =	vld [tilespmem:s19+$0x420];
	v27 =	vadd.f32 v35, v27  }
0x121: {  	v35 =	vld [tilespmem:s19+$0x430];
	v24 =	vadd.f32 v37, v24  }
0x122: {  	v37 =	vld [tilespmem:s19+$0x440];
	v25 =	vadd.f32 v36, v25  }
0x123: {  	v36 =	vld [tilespmem:s19+$0x450];
	v22 =	vadd.f32 v34, v22  }
0x124: {  	v34 =	vld [tilespmem:s19+$0x460];
	v23 =	vadd.f32 v33, v23  }
0x125: {  	v33 =	vld [tilespmem:s19+$0x470];
	v20 =	vadd.f32 v31, v20  }
0x126: {  	v31 =	vld [tilespmem:s19+$0x800];
	v21 =	vadd.f32 v35, v21  }
0x127: {  	v35 =	vld [tilespmem:s19+$0x810];
	v18 =	vadd.f32 v37, v18  }
0x128: {  	v37 =	vld [tilespmem:s19+$0x820];
	v19 =	vadd.f32 v36, v19  }
0x129: {  	v36 =	vld [tilespmem:s19+$0x830];
	v16 =	vadd.f32 v34, v16  }
0x12a: {  	v34 =	vld [tilespmem:s19+$0x840];
	v17 =	vadd.f32 v33, v17  }
0x12b: {  	v33 =	vld [tilespmem:s19+$0x850];
	v13 =	vadd.f32 v31, v13  }
0x12c: {  	v31 =	vld [tilespmem:s19+$0x860];
	v14 =	vadd.f32 v35, v14  }
0x12d: {  	v35 =	vld [tilespmem:s19+$0x870];
	v11 =	vadd.f32 v37, v11  }
0x12e: {  	v37 =	vld [tilespmem:s19+$0xC00];
	v12 =	vadd.f32 v36, v12  }
.Ltmp3:
0x12f: {  	v40 =	vld [tilespmem:s19+$0xC10];
	v7 =	vadd.f32 v34, v7;
	(pc) =	sbr.rel @p0 .LBB2_8-.Ltmp3, $4  }
0x130: {  	v38 =	vld [tilespmem:s19+$0xC20];
	v8 =	vadd.f32 v33, v8  }
0x131: {  	v36 =	vld [tilespmem:s19+$0xC30];
	v9 =	vadd.f32 v31, v9  }
0x132: {  	s20 =	sadd.s32 $0x80, s20;
	v34 =	vld [tilespmem:s19+$0xC40];
	v10 =	vadd.f32 v35, v10  }
0x133: {  	s22 =	sand.u32 $0x7000, s21;
	s21 =	sadd.s32 $0x200, s21;
	s23 =	sand.u32 $0x380, s20;
	v33 =	vld [tilespmem:s19+$0xC50];
	v15 =	vadd.f32 v37, v15  }
0x134: {  	s20 =	sor.u32 s23, s22;
	v31 =	vld [tilespmem:s19+$0xC60]  }
0x135: {  	v63 =	vld [tilespmem:s20+$0xC70]  }
0x136: {  	v37 =	vld [tilespmem:s20+$0x0]  }
0x137: {  	v39 =	vld [tilespmem:s20+$0x10]  }
0x138: {  	v41 =	vld [tilespmem:s20+$0x20]  }
0x139: {  	v42 =	vld [tilespmem:s20+$0x30]  }
0x13a: {  	v43 =	vld [tilespmem:s20+$0x40]  }
0x13b: {  	v44 =	vld [tilespmem:s20+$0x50]  }
0x13c: {  	v45 =	vld [tilespmem:s20+$0x60]  }
0x13d: {  	v46 =	vld [tilespmem:s20+$0x70]  }
0x13e: {  	v47 =	vld [tilespmem:s20+$0x400]  }
0x13f: {  	v48 =	vld [tilespmem:s20+$0x410]  }
0x140: {  	v49 =	vld [tilespmem:s20+$0x420]  }
0x141: {  	v50 =	vld [tilespmem:s20+$0x430]  }
0x142: {  	v51 =	vld [tilespmem:s20+$0x440]  }
0x143: {  	v52 =	vld [tilespmem:s20+$0x450]  }
0x144: {  	v35 =	vld [tilespmem:s20+$0xC20]  }
0x145: {  	v53 =	vld [tilespmem:s20+$0x460]  }
0x146: {  	v54 =	vld [tilespmem:s20+$0x470]  }
0x147: {  	v55 =	vld [tilespmem:s20+$0x800]  }
0x148: {  	v56 =	vld [tilespmem:s20+$0x810]  }
0x149: {  	[tilespmem:$0x1FF50] =	vst v35;
	v35 =	vld [tilespmem:s20+$0xC30]  }
0x14a: {  	v57 =	vld [tilespmem:s20+$0x820]  }
0x14b: {  	v58 =	vld [tilespmem:s20+$0x830]  }
0x14c: {  	v59 =	vld [tilespmem:s20+$0x840]  }
0x14d: {  	v60 =	vld [tilespmem:s20+$0x850]  }
0x14e: {  	[tilespmem:$0x1FF60] =	vst v35;
	v35 =	vld [tilespmem:s20+$0xC40]  }
0x14f: {  	v61 =	vld [tilespmem:s20+$0x860]  }
0x150: {  	v62 =	vld [tilespmem:s20+$0x870]  }
0x151: {  	[tilespmem:$0x1FF70] =	vst v31;
	v31 =	vld [tilespmem:s20+$0xC10]  }
0x152: {  	[tilespmem:$0x1FF90] =	vst v63;
	v63 =	vld [tilespmem:s20+$0xC00];
	v30 =	vadd.f32 v37, v30  }
0x153: {  	v37 =	vld [tilespmem:s20+$0xC50];
	v32 =	vadd.f32 v39, v32;
	[tilespmem:$0x1FF80] =	vst v35  }
0x154: {  	v28 =	vadd.f32 v41, v28;
	v35 =	vld [tilespmem:s20+$0xC60];
	[tilespmem:$0x10000] =	vst v30  }
0x155: {  	v29 =	vadd.f32 v42, v29;
	[tilespmem:$0x10010] =	vst v32  }
0x156: {  	v26 =	vadd.f32 v43, v26;
	[tilespmem:$0x10020] =	vst v28  }
0x157: {  	v27 =	vadd.f32 v44, v27;
	[tilespmem:$0x10030] =	vst v29  }
0x158: {  	v24 =	vadd.f32 v45, v24;
	[tilespmem:$0x10040] =	vst v26  }
0x159: {  	v25 =	vadd.f32 v46, v25;
	[tilespmem:$0x10050] =	vst v27  }
0x15a: {  	v22 =	vadd.f32 v47, v22;
	[tilespmem:$0x10060] =	vst v24  }
0x15b: {  	v23 =	vadd.f32 v48, v23;
	[tilespmem:$0x10070] =	vst v25  }
0x15c: {  	v20 =	vadd.f32 v49, v20;
	[tilespmem:$0x10080] =	vst v22  }
0x15d: {  	v21 =	vadd.f32 v50, v21;
	[tilespmem:$0x10090] =	vst v23  }
0x15e: {  	v18 =	vadd.f32 v51, v18;
	[tilespmem:$0x100A0] =	vst v20  }
0x15f: {  	v19 =	vadd.f32 v52, v19;
	[tilespmem:$0x100B0] =	vst v21  }
0x160: {  	v16 =	vadd.f32 v53, v16;
	[tilespmem:$0x100C0] =	vst v18  }
0x161: {  	v17 =	vadd.f32 v54, v17;
	[tilespmem:$0x100D0] =	vst v19  }
0x162: {  	v13 =	vadd.f32 v55, v13;
	[tilespmem:$0x100E0] =	vst v16  }
0x163: {  	v14 =	vadd.f32 v56, v14;
	[tilespmem:$0x100F0] =	vst v17  }
0x164: {  	v11 =	vadd.f32 v57, v11;
	[tilespmem:$0x10100] =	vst v13  }
0x165: {  	v12 =	vadd.f32 v58, v12;
	[tilespmem:$0x10110] =	vst v14  }
0x166: {  	v7 =	vadd.f32 v59, v7;
	[tilespmem:$0x10120] =	vst v11  }
0x167: {  	v8 =	vadd.f32 v60, v8;
	v59 =	vld [tilespmem:$0x1FF50];
	[tilespmem:$0x10130] =	vst v12  }
0x168: {  	v9 =	vadd.f32 v61, v9;
	v61 =	vld [tilespmem:$0x1FF70];
	[tilespmem:$0x10140] =	vst v7  }
0x169: {  	v5 =	vadd.f32 v40, v5;
	v57 =	vadd.f32 v62, v10;
	v60 =	vld [tilespmem:$0x1FF60];
	[tilespmem:$0x10150] =	vst v8  }
0x16a: {  	v4 =	vadd.f32 v38, v4;
	v58 =	vadd.f32 v63, v15;
	[tilespmem:$0x10160] =	vst v9;
	v62 =	vld [tilespmem:$0x1FF80]  }
0x16b: {  	v1 =	vadd.f32 v33, v1;
	v5 =	vadd.f32 v31, v5;
	[tilespmem:$0x10170] =	vst v57  }
0x16c: {  	v3 =	vadd.f32 v36, v3;
	v63 =	vld [tilespmem:$0x1FF90];
	v4 =	vadd.f32 v59, v4;
	[tilespmem:$0x10180] =	vst v58  }
0x16d: {  	v2 =	vadd.f32 v34, v2;
	v1 =	vadd.f32 v37, v1;
	[tilespmem:$0x10190] =	vst v5  }
0x16e: {  	v0 =	vadd.f32 v61, v0;
	[tilespmem:$0x101A0] =	vst v4;
	v3 =	vadd.f32 v60, v3  }
0x16f: {  	[tilespmem:$0x101D0] =	vst v1;
	v2 =	vadd.f32 v62, v2  }
0x170: {  	[tilespmem:$0x101B0] =	vst v3;
	v0 =	vadd.f32 v35, v0  }
0x171: {  	s18 =	sadd.s32 $0x1, s18;
	[tilespmem:$0x101C0] =	vst v2;
	v2 =	vadd.f32 v63, v6  }
0x172: {  	p0 =	sne.s32 s18, s9;
	[tilespmem:$0x101E0] =	vst v0  }
.Ltmp4:
0x173: {  	[tilespmem:$0x101F0] =	vst v2;
	(pc) =	sbr.rel @p0 .LBB2_1-.Ltmp4, $4  }
0x174: {  	[hbm4b:s8+s14] =	stream.strided.scatter [tilespmem:s16], [sflag:$0x3], $0x200, s15, s14, $0x38;
	[tilespmem:$0x10200] =	vst v63  }
0x175: {  	_ =	swait.ge [sflag:s17], $0x200  }
0x176: {  	[sflag:s17] =	ssyncset.done $0x0  }
0x177: {  	[sflag:s17] =	ssyncadd.s32 $0xFFFFFE00  }
0x178: {  	_ =	sfence.sel $0x180000  }
0x179: {  	[bflag:$0x0] =	sbarrier.arrive $0xFFFF  }
0x17a: {  	p0 =	sne.s32 s2, $0x0;
	_ =	strace $0x90000047  }
0x17b: {  	s0 =	sadd.s32 @!p0 $0x100000, s0;
	[bflag:$0x2] =	sbarrier.arrive $0xFFFF  }
0x17c: {  	[sflag:s0] =	ssyncadd.tile.s32 @!p0 $0x1;
	_ =	shalt  }
.Lfunc_end2:
_tile_overlayer_lowered:
.L_overlay_start_2:
0x17d: {  	(tag) =	ssettag $0x2  }
0x17e: {  	s0 =	rddreg [dreg:$0x0];
	s2 =	stileid.u32  }
0x17f: {  	s1 =	rddreg [dreg:$0x1];
	p0 =	sne.s32 s2, $0x0  }
0x180: {  	s3 =	rddreg [dreg:$0x2];
	[bflag:$0x3] =	sbarrier.arrive $0xFFFF;
	s2 =	simm.s32 @!p0 $0x1C03  }
0x181: {  	[timem:s3], [sflag:s2] =	dma.local @!p0 [hbm:s0], s1  }
0x182: {  	s0 =	simm.s32 @!p0 $0x3  }
0x183: {  	_ =	swait.ge @!p0 [sflag:s0], s1  }
0x184: {  	s1 =	ssub.s32 @!p0 $0x0, s1;
	[sflag:s0] =	ssyncset.done @!p0 $0x0  }
0x185: {  	[sflag:s0] =	ssyncadd.s32 @!p0 s1  }
0x186: {  	[bflag:$0x3] =	sbarrier.arrive $0xFFFF  }
0x187: {  	_ =	shalt  }

</sc_bundles>
